<compile_context>
chip_gen: v7x
topology: tpu7x:2x2x1
jax: 0.10.2.dev20260603
libtpu: 0.0.44.dev20260713+nightly
codegen_flags: <defaults>
</compile_context>

<pallas_src>
import jax
import jax.numpy as jnp
from jax import lax
from jax.experimental import pallas as pl
from jax.experimental.pallas import tpu as pltpu
from jax.experimental.pallas import tpu_sc as plsc

_NC = 2
_NS = 16
_NW = _NC * _NS


def _gather_kernel(batch: int, hist: int, d: int, nbuf: int):
    nb = batch // _NW
    n_groups = nb // nbuf
    mesh = plsc.VectorSubcoreMesh(core_axis_name="c", subcore_axis_name="s")

    def body(idx_hbm, table_hbm, out_hbm, idx_v, *scratch):
        bufs = scratch[:nbuf]
        gsem, wsem = scratch[nbuf], scratch[nbuf + 1]
        wid = lax.axis_index("s") * _NC + lax.axis_index("c")
        base = wid * nb
        pltpu.sync_copy(idx_hbm.at[wid], idx_v)

        def gather(j, b):
            return pltpu.make_async_copy(
                table_hbm.at[idx_v.at[j]], bufs[b], gsem)

        def write(j, b):
            return pltpu.make_async_copy(
                bufs[b], out_hbm.at[base + j], wsem)

        for b in range(nbuf):
            gather(b, b).start()

        def group(g, carry):
            j0 = g * nbuf
            for b in range(nbuf):
                gather(j0 + b, b).wait()
            for b in range(nbuf):
                write(j0 + b, b).start()
            for b in range(nbuf):
                write(j0 + b, b).wait()
            for b in range(nbuf):
                gather(j0 + nbuf + b, b).start()
            return carry

        lax.fori_loop(0, n_groups - 1, group, 0, unroll=False)

        j0 = (n_groups - 1) * nbuf
        for b in range(nbuf):
            gather(j0 + b, b).wait()
        for b in range(nbuf):
            write(j0 + b, b).start()
        for b in range(nbuf):
            write(j0 + b, b).wait()

    return pl.kernel(
        body,
        out_type=jax.ShapeDtypeStruct((batch, hist, d), jnp.float32),
        mesh=mesh,
        scratch_types=(
            [pltpu.VMEM((nb, hist), jnp.int32)]
            + [pltpu.VMEM((hist, d), jnp.float32) for _ in range(nbuf)]
            + [pltpu.SemaphoreType.DMA, pltpu.SemaphoreType.DMA]
        ),
    )


def kernel(x, table):
    batch, hist = x.shape
    vocab, d = table.shape
    nbuf = 8
    idx3 = x.reshape(_NW, batch // _NW, hist)
    return _gather_kernel(batch, hist, d, nbuf)(idx3, table)

# --- scband reference (transcript-rebuilt; emitter-appended) ---
"""Pipeline reference for scband-tim-diff-emb-23562190586372 (READ-ONLY COPY).

The authoritative reference and input builder live on the scoring server;
editing this copy changes nothing except your own understanding.
"""

import jax, jax.numpy as jnp
import numpy as np

TIM_SIZE = 1000
TIM_EMB_SIZE = 128
BATCH = 4096
HIST_LEN = 50


def setup_inputs(seed: int = 0) -> dict:
    key = jax.random.key(seed)
    k1, k2 = jax.random.split(key)
    # time-slot indices in [0, tim_size)
    x = jax.random.randint(k1, (BATCH, HIST_LEN), 0, TIM_SIZE, dtype=jnp.int32)
    # embedding table (nn.Embedding weight), padding_idx=0 row zeroed at init
    table = jax.random.normal(k2, (TIM_SIZE, TIM_EMB_SIZE), dtype=jnp.float32)
    table = table.at[0].set(0.0)
    return {"x": x, "table": table}


def reference(x, table):
    # tim_emb_type != 'Linear' -> nn.Embedding lookup: emb_tim(x.long())
    return jnp.take(table, x, axis=0)

if __name__ == "__main__":
    import jax
    _d = setup_inputs()
    print(jax.jit(kernel)(*tuple(_d.values())))

</pallas_src>

<mosaic_0001>
#map = affine_map<(d0, d1) -> (0, 0, 0)>
#map1 = affine_map<(d0, d1) -> (0, 0)>
module attributes {stable_mosaic.version = 14 : i64} {
  func.func @body(%arg0: i32, %arg1: i32, %arg2: memref<32x128x50xi32, #tpu.memory_space<hbm>>, %arg3: memref<1000x128xf32, #tpu.memory_space<hbm>>, %arg4: memref<4096x50x128xf32, #tpu.memory_space<hbm>>, %arg5: memref<128x50xi32, #tpu.memory_space<vmem>>, %arg6: memref<50x128xf32, #tpu.memory_space<vmem>>, %arg7: memref<50x128xf32, #tpu.memory_space<vmem>>, %arg8: memref<50x128xf32, #tpu.memory_space<vmem>>, %arg9: memref<50x128xf32, #tpu.memory_space<vmem>>, %arg10: memref<50x128xf32, #tpu.memory_space<vmem>>, %arg11: memref<50x128xf32, #tpu.memory_space<vmem>>, %arg12: memref<50x128xf32, #tpu.memory_space<vmem>>, %arg13: memref<50x128xf32, #tpu.memory_space<vmem>>, %arg14: memref<!tpu.dma_semaphore, #tpu.memory_space<semaphore_mem>>, %arg15: memref<!tpu.dma_semaphore, #tpu.memory_space<semaphore_mem>>) attributes {dimension_semantics = [#tpu.dimension_semantics<core_parallel>, #tpu.dimension_semantics<subcore_parallel>], iteration_bounds = array<i64: 2, 16>, scalar_prefetch = 0 : i64, scratch_operands = 11 : i64, tpu.core_type = #tpu.core_type<sc_vector_subcore>, window_params = [{transform_indices = #map}, {transform_indices = #map1}, {transform_indices = #map}]} {
    %mul3A = arith.constant 2 : i32
    %mul3A_0 = arith.muli %arg1, %mul3A : i32
    %add3A = arith.addi %mul3A_0, %arg0 : i32
    %mul3A_1 = arith.constant 128 : i32
    %mul3A_2 = arith.muli %add3A, %mul3A_1 : i32
    "tpu.region"() ({
      %run_scoped3A = tpu.sem_alloc : memref<!tpu.dma_semaphore, #tpu.memory_space<semaphore_mem>>
      %dma_start3A_278 = arith.constant 0 : i32
      %dma_start3A_279 = arith.constant 0 : i32
      %dma_start3A_280 = tpu.memref_slice %arg2[%add3A, %dma_start3A_278, %dma_start3A_279] : memref<32x128x50xi32, #tpu.memory_space<hbm>> -> memref<1x128x50xi32, #tpu.memory_space<hbm>>
      %dma_start3A_281 = tpu.memref_squeeze %dma_start3A_280 : memref<1x128x50xi32, #tpu.memory_space<hbm>> -> memref<128x50xi32, #tpu.memory_space<hbm>>
      %dma_start3A_282 = arith.constant 0 : i32
      %dma_start3A_283 = arith.constant 0 : i32
      %dma_start3A_284 = tpu.memref_slice %arg2[%add3A, %dma_start3A_282, %dma_start3A_283] : memref<32x128x50xi32, #tpu.memory_space<hbm>> -> memref<1x128x50xi32, #tpu.memory_space<hbm>>
      %dma_start3A_285 = tpu.memref_squeeze %dma_start3A_284 : memref<1x128x50xi32, #tpu.memory_space<hbm>> -> memref<128x50xi32, #tpu.memory_space<hbm>>
      tpu.enqueue_dma source(%dma_start3A_285 : memref<128x50xi32, #tpu.memory_space<hbm>>) target(%arg5 : memref<128x50xi32, #tpu.memory_space<vmem>>) target_semaphore(%run_scoped3A : memref<!tpu.dma_semaphore, #tpu.memory_space<semaphore_mem>>)
      %dma_wait3A_286 = arith.constant 0 : i32
      %dma_wait3A_287 = arith.constant 0 : i32
      %dma_wait3A_288 = tpu.memref_slice %arg2[%add3A, %dma_wait3A_286, %dma_wait3A_287] : memref<32x128x50xi32, #tpu.memory_space<hbm>> -> memref<1x128x50xi32, #tpu.memory_space<hbm>>
      %dma_wait3A_289 = tpu.memref_squeeze %dma_wait3A_288 : memref<1x128x50xi32, #tpu.memory_space<hbm>> -> memref<128x50xi32, #tpu.memory_space<hbm>>
      %dma_wait3A_290 = arith.constant 0 : i32
      %dma_wait3A_291 = arith.constant 0 : i32
      %dma_wait3A_292 = tpu.memref_slice %arg2[%add3A, %dma_wait3A_290, %dma_wait3A_291] : memref<32x128x50xi32, #tpu.memory_space<hbm>> -> memref<1x128x50xi32, #tpu.memory_space<hbm>>
      %dma_wait3A_293 = tpu.memref_squeeze %dma_wait3A_292 : memref<1x128x50xi32, #tpu.memory_space<hbm>> -> memref<128x50xi32, #tpu.memory_space<hbm>>
      tpu.wait_dma2 semaphore(%run_scoped3A : memref<!tpu.dma_semaphore, #tpu.memory_space<semaphore_mem>>) src(%dma_wait3A_293 : memref<128x50xi32, #tpu.memory_space<hbm>>) dst(%arg5 : memref<128x50xi32, #tpu.memory_space<vmem>>)
      tpu.yield
    }) : () -> ()
    %dma_start3A = arith.constant 0 : i32
    %dma_start3A_3 = arith.constant 0 : i32
    %dma_start3A_4 = tpu.memref_slice %arg5[%dma_start3A, %dma_start3A_3] : memref<128x50xi32, #tpu.memory_space<vmem>> -> memref<1x50xi32, #tpu.memory_space<vmem>>
    %dma_start3A_5 = tpu.memref_squeeze %dma_start3A_4 : memref<1x50xi32, #tpu.memory_space<vmem>> -> memref<50xi32, #tpu.memory_space<vmem>>
    %dma_start3A_6 = arith.constant 0 : i32
    %dma_start3A_7 = arith.constant 0 : i32
    %dma_start3A_8 = tpu.memref_slice %arg3[%dma_start3A_6, %dma_start3A_7] : memref<1000x128xf32, #tpu.memory_space<hbm>> -> memref<1000x128xf32, #tpu.memory_space<hbm>>
    tpu.enqueue_indirect_dma source(%dma_start3A_8 : memref<1000x128xf32, #tpu.memory_space<hbm>>) target(%arg6 : memref<50x128xf32, #tpu.memory_space<vmem>>) offsets(%dma_start3A_5 : memref<50xi32, #tpu.memory_space<vmem>>) semaphore(%arg14 : memref<!tpu.dma_semaphore, #tpu.memory_space<semaphore_mem>>)
    %dma_start3A_9 = arith.constant 1 : i32
    %dma_start3A_10 = arith.constant 0 : i32
    %dma_start3A_11 = tpu.memref_slice %arg5[%dma_start3A_9, %dma_start3A_10] : memref<128x50xi32, #tpu.memory_space<vmem>> -> memref<1x50xi32, #tpu.memory_space<vmem>>
    %dma_start3A_12 = tpu.memref_squeeze %dma_start3A_11 : memref<1x50xi32, #tpu.memory_space<vmem>> -> memref<50xi32, #tpu.memory_space<vmem>>
    %dma_start3A_13 = arith.constant 0 : i32
    %dma_start3A_14 = arith.constant 0 : i32
    %dma_start3A_15 = tpu.memref_slice %arg3[%dma_start3A_13, %dma_start3A_14] : memref<1000x128xf32, #tpu.memory_space<hbm>> -> memref<1000x128xf32, #tpu.memory_space<hbm>>
    tpu.enqueue_indirect_dma source(%dma_start3A_15 : memref<1000x128xf32, #tpu.memory_space<hbm>>) target(%arg7 : memref<50x128xf32, #tpu.memory_space<vmem>>) offsets(%dma_start3A_12 : memref<50xi32, #tpu.memory_space<vmem>>) semaphore(%arg14 : memref<!tpu.dma_semaphore, #tpu.memory_space<semaphore_mem>>)
    %dma_start3A_16 = arith.constant 2 : i32
    %dma_start3A_17 = arith.constant 0 : i32
    %dma_start3A_18 = tpu.memref_slice %arg5[%dma_start3A_16, %dma_start3A_17] : memref<128x50xi32, #tpu.memory_space<vmem>> -> memref<1x50xi32, #tpu.memory_space<vmem>>
    %dma_start3A_19 = tpu.memref_squeeze %dma_start3A_18 : memref<1x50xi32, #tpu.memory_space<vmem>> -> memref<50xi32, #tpu.memory_space<vmem>>
    %dma_start3A_20 = arith.constant 0 : i32
    %dma_start3A_21 = arith.constant 0 : i32
    %dma_start3A_22 = tpu.memref_slice %arg3[%dma_start3A_20, %dma_start3A_21] : memref<1000x128xf32, #tpu.memory_space<hbm>> -> memref<1000x128xf32, #tpu.memory_space<hbm>>
    tpu.enqueue_indirect_dma source(%dma_start3A_22 : memref<1000x128xf32, #tpu.memory_space<hbm>>) target(%arg8 : memref<50x128xf32, #tpu.memory_space<vmem>>) offsets(%dma_start3A_19 : memref<50xi32, #tpu.memory_space<vmem>>) semaphore(%arg14 : memref<!tpu.dma_semaphore, #tpu.memory_space<semaphore_mem>>)
    %dma_start3A_23 = arith.constant 3 : i32
    %dma_start3A_24 = arith.constant 0 : i32
    %dma_start3A_25 = tpu.memref_slice %arg5[%dma_start3A_23, %dma_start3A_24] : memref<128x50xi32, #tpu.memory_space<vmem>> -> memref<1x50xi32, #tpu.memory_space<vmem>>
    %dma_start3A_26 = tpu.memref_squeeze %dma_start3A_25 : memref<1x50xi32, #tpu.memory_space<vmem>> -> memref<50xi32, #tpu.memory_space<vmem>>
    %dma_start3A_27 = arith.constant 0 : i32
    %dma_start3A_28 = arith.constant 0 : i32
    %dma_start3A_29 = tpu.memref_slice %arg3[%dma_start3A_27, %dma_start3A_28] : memref<1000x128xf32, #tpu.memory_space<hbm>> -> memref<1000x128xf32, #tpu.memory_space<hbm>>
    tpu.enqueue_indirect_dma source(%dma_start3A_29 : memref<1000x128xf32, #tpu.memory_space<hbm>>) target(%arg9 : memref<50x128xf32, #tpu.memory_space<vmem>>) offsets(%dma_start3A_26 : memref<50xi32, #tpu.memory_space<vmem>>) semaphore(%arg14 : memref<!tpu.dma_semaphore, #tpu.memory_space<semaphore_mem>>)
    %dma_start3A_30 = arith.constant 4 : i32
    %dma_start3A_31 = arith.constant 0 : i32
    %dma_start3A_32 = tpu.memref_slice %arg5[%dma_start3A_30, %dma_start3A_31] : memref<128x50xi32, #tpu.memory_space<vmem>> -> memref<1x50xi32, #tpu.memory_space<vmem>>
    %dma_start3A_33 = tpu.memref_squeeze %dma_start3A_32 : memref<1x50xi32, #tpu.memory_space<vmem>> -> memref<50xi32, #tpu.memory_space<vmem>>
    %dma_start3A_34 = arith.constant 0 : i32
    %dma_start3A_35 = arith.constant 0 : i32
    %dma_start3A_36 = tpu.memref_slice %arg3[%dma_start3A_34, %dma_start3A_35] : memref<1000x128xf32, #tpu.memory_space<hbm>> -> memref<1000x128xf32, #tpu.memory_space<hbm>>
    tpu.enqueue_indirect_dma source(%dma_start3A_36 : memref<1000x128xf32, #tpu.memory_space<hbm>>) target(%arg10 : memref<50x128xf32, #tpu.memory_space<vmem>>) offsets(%dma_start3A_33 : memref<50xi32, #tpu.memory_space<vmem>>) semaphore(%arg14 : memref<!tpu.dma_semaphore, #tpu.memory_space<semaphore_mem>>)
    %dma_start3A_37 = arith.constant 5 : i32
    %dma_start3A_38 = arith.constant 0 : i32
    %dma_start3A_39 = tpu.memref_slice %arg5[%dma_start3A_37, %dma_start3A_38] : memref<128x50xi32, #tpu.memory_space<vmem>> -> memref<1x50xi32, #tpu.memory_space<vmem>>
    %dma_start3A_40 = tpu.memref_squeeze %dma_start3A_39 : memref<1x50xi32, #tpu.memory_space<vmem>> -> memref<50xi32, #tpu.memory_space<vmem>>
    %dma_start3A_41 = arith.constant 0 : i32
    %dma_start3A_42 = arith.constant 0 : i32
    %dma_start3A_43 = tpu.memref_slice %arg3[%dma_start3A_41, %dma_start3A_42] : memref<1000x128xf32, #tpu.memory_space<hbm>> -> memref<1000x128xf32, #tpu.memory_space<hbm>>
    tpu.enqueue_indirect_dma source(%dma_start3A_43 : memref<1000x128xf32, #tpu.memory_space<hbm>>) target(%arg11 : memref<50x128xf32, #tpu.memory_space<vmem>>) offsets(%dma_start3A_40 : memref<50xi32, #tpu.memory_space<vmem>>) semaphore(%arg14 : memref<!tpu.dma_semaphore, #tpu.memory_space<semaphore_mem>>)
    %dma_start3A_44 = arith.constant 6 : i32
    %dma_start3A_45 = arith.constant 0 : i32
    %dma_start3A_46 = tpu.memref_slice %arg5[%dma_start3A_44, %dma_start3A_45] : memref<128x50xi32, #tpu.memory_space<vmem>> -> memref<1x50xi32, #tpu.memory_space<vmem>>
    %dma_start3A_47 = tpu.memref_squeeze %dma_start3A_46 : memref<1x50xi32, #tpu.memory_space<vmem>> -> memref<50xi32, #tpu.memory_space<vmem>>
    %dma_start3A_48 = arith.constant 0 : i32
    %dma_start3A_49 = arith.constant 0 : i32
    %dma_start3A_50 = tpu.memref_slice %arg3[%dma_start3A_48, %dma_start3A_49] : memref<1000x128xf32, #tpu.memory_space<hbm>> -> memref<1000x128xf32, #tpu.memory_space<hbm>>
    tpu.enqueue_indirect_dma source(%dma_start3A_50 : memref<1000x128xf32, #tpu.memory_space<hbm>>) target(%arg12 : memref<50x128xf32, #tpu.memory_space<vmem>>) offsets(%dma_start3A_47 : memref<50xi32, #tpu.memory_space<vmem>>) semaphore(%arg14 : memref<!tpu.dma_semaphore, #tpu.memory_space<semaphore_mem>>)
    %dma_start3A_51 = arith.constant 7 : i32
    %dma_start3A_52 = arith.constant 0 : i32
    %dma_start3A_53 = tpu.memref_slice %arg5[%dma_start3A_51, %dma_start3A_52] : memref<128x50xi32, #tpu.memory_space<vmem>> -> memref<1x50xi32, #tpu.memory_space<vmem>>
    %dma_start3A_54 = tpu.memref_squeeze %dma_start3A_53 : memref<1x50xi32, #tpu.memory_space<vmem>> -> memref<50xi32, #tpu.memory_space<vmem>>
    %dma_start3A_55 = arith.constant 0 : i32
    %dma_start3A_56 = arith.constant 0 : i32
    %dma_start3A_57 = tpu.memref_slice %arg3[%dma_start3A_55, %dma_start3A_56] : memref<1000x128xf32, #tpu.memory_space<hbm>> -> memref<1000x128xf32, #tpu.memory_space<hbm>>
    tpu.enqueue_indirect_dma source(%dma_start3A_57 : memref<1000x128xf32, #tpu.memory_space<hbm>>) target(%arg13 : memref<50x128xf32, #tpu.memory_space<vmem>>) offsets(%dma_start3A_54 : memref<50xi32, #tpu.memory_space<vmem>>) semaphore(%arg14 : memref<!tpu.dma_semaphore, #tpu.memory_space<semaphore_mem>>)
    %scan3A = arith.constant 0 : i32
    %scan3A_58 = arith.constant 0 : i32
    %scan3A_59 = arith.constant 15 : i32
    %scan3A_60 = arith.addi %scan3A_58, %scan3A_59 : i32
    %scan3A_61 = arith.constant 1 : i32
    scf.for %scan3A_278 = %scan3A_58 to %scan3A_60 step %scan3A_61  : i32 {
      %mul3A_279 = arith.constant 8 : i32
      %mul3A_280 = arith.muli %scan3A_278, %mul3A_279 : i32
      %add3A_281 = arith.constant 0 : i32
      %add3A_282 = arith.addi %mul3A_280, %add3A_281 : i32
      %dma_wait3A_283 = arith.constant 0 : i32
      %dma_wait3A_284 = tpu.memref_slice %arg5[%add3A_282, %dma_wait3A_283] : memref<128x50xi32, #tpu.memory_space<vmem>> -> memref<1x50xi32, #tpu.memory_space<vmem>>
      %dma_wait3A_285 = tpu.memref_squeeze %dma_wait3A_284 : memref<1x50xi32, #tpu.memory_space<vmem>> -> memref<50xi32, #tpu.memory_space<vmem>>
      %dma_wait3A_286 = arith.constant 0 : i32
      %dma_wait3A_287 = arith.constant 0 : i32
      %dma_wait3A_288 = tpu.memref_slice %arg3[%dma_wait3A_286, %dma_wait3A_287] : memref<1000x128xf32, #tpu.memory_space<hbm>> -> memref<1000x128xf32, #tpu.memory_space<hbm>>
      tpu.wait_indirect_dma semaphore(%arg14 : memref<!tpu.dma_semaphore, #tpu.memory_space<semaphore_mem>>) src(%dma_wait3A_288 : memref<1000x128xf32, #tpu.memory_space<hbm>>) dst(%arg6 : memref<50x128xf32, #tpu.memory_space<vmem>>)
      %add3A_289 = arith.constant 1 : i32
      %add3A_290 = arith.addi %mul3A_280, %add3A_289 : i32
      %dma_wait3A_291 = arith.constant 0 : i32
      %dma_wait3A_292 = tpu.memref_slice %arg5[%add3A_290, %dma_wait3A_291] : memref<128x50xi32, #tpu.memory_space<vmem>> -> memref<1x50xi32, #tpu.memory_space<vmem>>
      %dma_wait3A_293 = tpu.memref_squeeze %dma_wait3A_292 : memref<1x50xi32, #tpu.memory_space<vmem>> -> memref<50xi32, #tpu.memory_space<vmem>>
      %dma_wait3A_294 = arith.constant 0 : i32
      %dma_wait3A_295 = arith.constant 0 : i32
      %dma_wait3A_296 = tpu.memref_slice %arg3[%dma_wait3A_294, %dma_wait3A_295] : memref<1000x128xf32, #tpu.memory_space<hbm>> -> memref<1000x128xf32, #tpu.memory_space<hbm>>
      tpu.wait_indirect_dma semaphore(%arg14 : memref<!tpu.dma_semaphore, #tpu.memory_space<semaphore_mem>>) src(%dma_wait3A_296 : memref<1000x128xf32, #tpu.memory_space<hbm>>) dst(%arg7 : memref<50x128xf32, #tpu.memory_space<vmem>>)
      %add3A_297 = arith.constant 2 : i32
      %add3A_298 = arith.addi %mul3A_280, %add3A_297 : i32
      %dma_wait3A_299 = arith.constant 0 : i32
      %dma_wait3A_300 = tpu.memref_slice %arg5[%add3A_298, %dma_wait3A_299] : memref<128x50xi32, #tpu.memory_space<vmem>> -> memref<1x50xi32, #tpu.memory_space<vmem>>
      %dma_wait3A_301 = tpu.memref_squeeze %dma_wait3A_300 : memref<1x50xi32, #tpu.memory_space<vmem>> -> memref<50xi32, #tpu.memory_space<vmem>>
      %dma_wait3A_302 = arith.constant 0 : i32
      %dma_wait3A_303 = arith.constant 0 : i32
      %dma_wait3A_304 = tpu.memref_slice %arg3[%dma_wait3A_302, %dma_wait3A_303] : memref<1000x128xf32, #tpu.memory_space<hbm>> -> memref<1000x128xf32, #tpu.memory_space<hbm>>
      tpu.wait_indirect_dma semaphore(%arg14 : memref<!tpu.dma_semaphore, #tpu.memory_space<semaphore_mem>>) src(%dma_wait3A_304 : memref<1000x128xf32, #tpu.memory_space<hbm>>) dst(%arg8 : memref<50x128xf32, #tpu.memory_space<vmem>>)
      %add3A_305 = arith.constant 3 : i32
      %add3A_306 = arith.addi %mul3A_280, %add3A_305 : i32
      %dma_wait3A_307 = arith.constant 0 : i32
      %dma_wait3A_308 = tpu.memref_slice %arg5[%add3A_306, %dma_wait3A_307] : memref<128x50xi32, #tpu.memory_space<vmem>> -> memref<1x50xi32, #tpu.memory_space<vmem>>
      %dma_wait3A_309 = tpu.memref_squeeze %dma_wait3A_308 : memref<1x50xi32, #tpu.memory_space<vmem>> -> memref<50xi32, #tpu.memory_space<vmem>>
      %dma_wait3A_310 = arith.constant 0 : i32
      %dma_wait3A_311 = arith.constant 0 : i32
      %dma_wait3A_312 = tpu.memref_slice %arg3[%dma_wait3A_310, %dma_wait3A_311] : memref<1000x128xf32, #tpu.memory_space<hbm>> -> memref<1000x128xf32, #tpu.memory_space<hbm>>
      tpu.wait_indirect_dma semaphore(%arg14 : memref<!tpu.dma_semaphore, #tpu.memory_space<semaphore_mem>>) src(%dma_wait3A_312 : memref<1000x128xf32, #tpu.memory_space<hbm>>) dst(%arg9 : memref<50x128xf32, #tpu.memory_space<vmem>>)
      %add3A_313 = arith.constant 4 : i32
      %add3A_314 = arith.addi %mul3A_280, %add3A_313 : i32
      %dma_wait3A_315 = arith.constant 0 : i32
      %dma_wait3A_316 = tpu.memref_slice %arg5[%add3A_314, %dma_wait3A_315] : memref<128x50xi32, #tpu.memory_space<vmem>> -> memref<1x50xi32, #tpu.memory_space<vmem>>
      %dma_wait3A_317 = tpu.memref_squeeze %dma_wait3A_316 : memref<1x50xi32, #tpu.memory_space<vmem>> -> memref<50xi32, #tpu.memory_space<vmem>>
      %dma_wait3A_318 = arith.constant 0 : i32
      %dma_wait3A_319 = arith.constant 0 : i32
      %dma_wait3A_320 = tpu.memref_slice %arg3[%dma_wait3A_318, %dma_wait3A_319] : memref<1000x128xf32, #tpu.memory_space<hbm>> -> memref<1000x128xf32, #tpu.memory_space<hbm>>
      tpu.wait_indirect_dma semaphore(%arg14 : memref<!tpu.dma_semaphore, #tpu.memory_space<semaphore_mem>>) src(%dma_wait3A_320 : memref<1000x128xf32, #tpu.memory_space<hbm>>) dst(%arg10 : memref<50x128xf32, #tpu.memory_space<vmem>>)
      %add3A_321 = arith.constant 5 : i32
      %add3A_322 = arith.addi %mul3A_280, %add3A_321 : i32
      %dma_wait3A_323 = arith.constant 0 : i32
      %dma_wait3A_324 = tpu.memref_slice %arg5[%add3A_322, %dma_wait3A_323] : memref<128x50xi32, #tpu.memory_space<vmem>> -> memref<1x50xi32, #tpu.memory_space<vmem>>
      %dma_wait3A_325 = tpu.memref_squeeze %dma_wait3A_324 : memref<1x50xi32, #tpu.memory_space<vmem>> -> memref<50xi32, #tpu.memory_space<vmem>>
      %dma_wait3A_326 = arith.constant 0 : i32
      %dma_wait3A_327 = arith.constant 0 : i32
      %dma_wait3A_328 = tpu.memref_slice %arg3[%dma_wait3A_326, %dma_wait3A_327] : memref<1000x128xf32, #tpu.memory_space<hbm>> -> memref<1000x128xf32, #tpu.memory_space<hbm>>
      tpu.wait_indirect_dma semaphore(%arg14 : memref<!tpu.dma_semaphore, #tpu.memory_space<semaphore_mem>>) src(%dma_wait3A_328 : memref<1000x128xf32, #tpu.memory_space<hbm>>) dst(%arg11 : memref<50x128xf32, #tpu.memory_space<vmem>>)
      %add3A_329 = arith.constant 6 : i32
      %add3A_330 = arith.addi %mul3A_280, %add3A_329 : i32
      %dma_wait3A_331 = arith.constant 0 : i32
      %dma_wait3A_332 = tpu.memref_slice %arg5[%add3A_330, %dma_wait3A_331] : memref<128x50xi32, #tpu.memory_space<vmem>> -> memref<1x50xi32, #tpu.memory_space<vmem>>
      %dma_wait3A_333 = tpu.memref_squeeze %dma_wait3A_332 : memref<1x50xi32, #tpu.memory_space<vmem>> -> memref<50xi32, #tpu.memory_space<vmem>>
      %dma_wait3A_334 = arith.constant 0 : i32
      %dma_wait3A_335 = arith.constant 0 : i32
      %dma_wait3A_336 = tpu.memref_slice %arg3[%dma_wait3A_334, %dma_wait3A_335] : memref<1000x128xf32, #tpu.memory_space<hbm>> -> memref<1000x128xf32, #tpu.memory_space<hbm>>
      tpu.wait_indirect_dma semaphore(%arg14 : memref<!tpu.dma_semaphore, #tpu.memory_space<semaphore_mem>>) src(%dma_wait3A_336 : memref<1000x128xf32, #tpu.memory_space<hbm>>) dst(%arg12 : memref<50x128xf32, #tpu.memory_space<vmem>>)
      %add3A_337 = arith.constant 7 : i32
      %add3A_338 = arith.addi %mul3A_280, %add3A_337 : i32
      %dma_wait3A_339 = arith.constant 0 : i32
      %dma_wait3A_340 = tpu.memref_slice %arg5[%add3A_338, %dma_wait3A_339] : memref<128x50xi32, #tpu.memory_space<vmem>> -> memref<1x50xi32, #tpu.memory_space<vmem>>
      %dma_wait3A_341 = tpu.memref_squeeze %dma_wait3A_340 : memref<1x50xi32, #tpu.memory_space<vmem>> -> memref<50xi32, #tpu.memory_space<vmem>>
      %dma_wait3A_342 = arith.constant 0 : i32
      %dma_wait3A_343 = arith.constant 0 : i32
      %dma_wait3A_344 = tpu.memref_slice %arg3[%dma_wait3A_342, %dma_wait3A_343] : memref<1000x128xf32, #tpu.memory_space<hbm>> -> memref<1000x128xf32, #tpu.memory_space<hbm>>
      tpu.wait_indirect_dma semaphore(%arg14 : memref<!tpu.dma_semaphore, #tpu.memory_space<semaphore_mem>>) src(%dma_wait3A_344 : memref<1000x128xf32, #tpu.memory_space<hbm>>) dst(%arg13 : memref<50x128xf32, #tpu.memory_space<vmem>>)
      %add3A_345 = arith.constant 0 : i32
      %add3A_346 = arith.addi %mul3A_280, %add3A_345 : i32
      %add3A_347 = arith.addi %mul3A_2, %add3A_346 : i32
      %dma_start3A_348 = arith.constant 0 : i32
      %dma_start3A_349 = arith.constant 0 : i32
      %dma_start3A_350 = tpu.memref_slice %arg4[%add3A_347, %dma_start3A_348, %dma_start3A_349] : memref<4096x50x128xf32, #tpu.memory_space<hbm>> -> memref<1x50x128xf32, #tpu.memory_space<hbm>>
      %dma_start3A_351 = tpu.memref_squeeze %dma_start3A_350 : memref<1x50x128xf32, #tpu.memory_space<hbm>> -> memref<50x128xf32, #tpu.memory_space<hbm>>
      %dma_start3A_352 = arith.constant 0 : i32
      %dma_start3A_353 = arith.constant 0 : i32
      %dma_start3A_354 = tpu.memref_slice %arg4[%add3A_347, %dma_start3A_352, %dma_start3A_353] : memref<4096x50x128xf32, #tpu.memory_space<hbm>> -> memref<1x50x128xf32, #tpu.memory_space<hbm>>
      %dma_start3A_355 = tpu.memref_squeeze %dma_start3A_354 : memref<1x50x128xf32, #tpu.memory_space<hbm>> -> memref<50x128xf32, #tpu.memory_space<hbm>>
      tpu.enqueue_dma source(%arg6 : memref<50x128xf32, #tpu.memory_space<vmem>>) target(%dma_start3A_355 : memref<50x128xf32, #tpu.memory_space<hbm>>) target_semaphore(%arg15 : memref<!tpu.dma_semaphore, #tpu.memory_space<semaphore_mem>>)
      %add3A_356 = arith.constant 1 : i32
      %add3A_357 = arith.addi %mul3A_280, %add3A_356 : i32
      %add3A_358 = arith.addi %mul3A_2, %add3A_357 : i32
      %dma_start3A_359 = arith.constant 0 : i32
      %dma_start3A_360 = arith.constant 0 : i32
      %dma_start3A_361 = tpu.memref_slice %arg4[%add3A_358, %dma_start3A_359, %dma_start3A_360] : memref<4096x50x128xf32, #tpu.memory_space<hbm>> -> memref<1x50x128xf32, #tpu.memory_space<hbm>>
      %dma_start3A_362 = tpu.memref_squeeze %dma_start3A_361 : memref<1x50x128xf32, #tpu.memory_space<hbm>> -> memref<50x128xf32, #tpu.memory_space<hbm>>
      %dma_start3A_363 = arith.constant 0 : i32
      %dma_start3A_364 = arith.constant 0 : i32
      %dma_start3A_365 = tpu.memref_slice %arg4[%add3A_358, %dma_start3A_363, %dma_start3A_364] : memref<4096x50x128xf32, #tpu.memory_space<hbm>> -> memref<1x50x128xf32, #tpu.memory_space<hbm>>
      %dma_start3A_366 = tpu.memref_squeeze %dma_start3A_365 : memref<1x50x128xf32, #tpu.memory_space<hbm>> -> memref<50x128xf32, #tpu.memory_space<hbm>>
      tpu.enqueue_dma source(%arg7 : memref<50x128xf32, #tpu.memory_space<vmem>>) target(%dma_start3A_366 : memref<50x128xf32, #tpu.memory_space<hbm>>) target_semaphore(%arg15 : memref<!tpu.dma_semaphore, #tpu.memory_space<semaphore_mem>>)
      %add3A_367 = arith.constant 2 : i32
      %add3A_368 = arith.addi %mul3A_280, %add3A_367 : i32
      %add3A_369 = arith.addi %mul3A_2, %add3A_368 : i32
      %dma_start3A_370 = arith.constant 0 : i32
      %dma_start3A_371 = arith.constant 0 : i32
      %dma_start3A_372 = tpu.memref_slice %arg4[%add3A_369, %dma_start3A_370, %dma_start3A_371] : memref<4096x50x128xf32, #tpu.memory_space<hbm>> -> memref<1x50x128xf32, #tpu.memory_space<hbm>>
      %dma_start3A_373 = tpu.memref_squeeze %dma_start3A_372 : memref<1x50x128xf32, #tpu.memory_space<hbm>> -> memref<50x128xf32, #tpu.memory_space<hbm>>
      %dma_start3A_374 = arith.constant 0 : i32
      %dma_start3A_375 = arith.constant 0 : i32
      %dma_start3A_376 = tpu.memref_slice %arg4[%add3A_369, %dma_start3A_374, %dma_start3A_375] : memref<4096x50x128xf32, #tpu.memory_space<hbm>> -> memref<1x50x128xf32, #tpu.memory_space<hbm>>
      %dma_start3A_377 = tpu.memref_squeeze %dma_start3A_376 : memref<1x50x128xf32, #tpu.memory_space<hbm>> -> memref<50x128xf32, #tpu.memory_space<hbm>>
      tpu.enqueue_dma source(%arg8 : memref<50x128xf32, #tpu.memory_space<vmem>>) target(%dma_start3A_377 : memref<50x128xf32, #tpu.memory_space<hbm>>) target_semaphore(%arg15 : memref<!tpu.dma_semaphore, #tpu.memory_space<semaphore_mem>>)
      %add3A_378 = arith.constant 3 : i32
      %add3A_379 = arith.addi %mul3A_280, %add3A_378 : i32
      %add3A_380 = arith.addi %mul3A_2, %add3A_379 : i32
      %dma_start3A_381 = arith.constant 0 : i32
      %dma_start3A_382 = arith.constant 0 : i32
      %dma_start3A_383 = tpu.memref_slice %arg4[%add3A_380, %dma_start3A_381, %dma_start3A_382] : memref<4096x50x128xf32, #tpu.memory_space<hbm>> -> memref<1x50x128xf32, #tpu.memory_space<hbm>>
      %dma_start3A_384 = tpu.memref_squeeze %dma_start3A_383 : memref<1x50x128xf32, #tpu.memory_space<hbm>> -> memref<50x128xf32, #tpu.memory_space<hbm>>
      %dma_start3A_385 = arith.constant 0 : i32
      %dma_start3A_386 = arith.constant 0 : i32
      %dma_start3A_387 = tpu.memref_slice %arg4[%add3A_380, %dma_start3A_385, %dma_start3A_386] : memref<4096x50x128xf32, #tpu.memory_space<hbm>> -> memref<1x50x128xf32, #tpu.memory_space<hbm>>
      %dma_start3A_388 = tpu.memref_squeeze %dma_start3A_387 : memref<1x50x128xf32, #tpu.memory_space<hbm>> -> memref<50x128xf32, #tpu.memory_space<hbm>>
      tpu.enqueue_dma source(%arg9 : memref<50x128xf32, #tpu.memory_space<vmem>>) target(%dma_start3A_388 : memref<50x128xf32, #tpu.memory_space<hbm>>) target_semaphore(%arg15 : memref<!tpu.dma_semaphore, #tpu.memory_space<semaphore_mem>>)
      %add3A_389 = arith.constant 4 : i32
      %add3A_390 = arith.addi %mul3A_280, %add3A_389 : i32
      %add3A_391 = arith.addi %mul3A_2, %add3A_390 : i32
      %dma_start3A_392 = arith.constant 0 : i32
      %dma_start3A_393 = arith.constant 0 : i32
      %dma_start3A_394 = tpu.memref_slice %arg4[%add3A_391, %dma_start3A_392, %dma_start3A_393] : memref<4096x50x128xf32, #tpu.memory_space<hbm>> -> memref<1x50x128xf32, #tpu.memory_space<hbm>>
      %dma_start3A_395 = tpu.memref_squeeze %dma_start3A_394 : memref<1x50x128xf32, #tpu.memory_space<hbm>> -> memref<50x128xf32, #tpu.memory_space<hbm>>
      %dma_start3A_396 = arith.constant 0 : i32
      %dma_start3A_397 = arith.constant 0 : i32
      %dma_start3A_398 = tpu.memref_slice %arg4[%add3A_391, %dma_start3A_396, %dma_start3A_397] : memref<4096x50x128xf32, #tpu.memory_space<hbm>> -> memref<1x50x128xf32, #tpu.memory_space<hbm>>
      %dma_start3A_399 = tpu.memref_squeeze %dma_start3A_398 : memref<1x50x128xf32, #tpu.memory_space<hbm>> -> memref<50x128xf32, #tpu.memory_space<hbm>>
      tpu.enqueue_dma source(%arg10 : memref<50x128xf32, #tpu.memory_space<vmem>>) target(%dma_start3A_399 : memref<50x128xf32, #tpu.memory_space<hbm>>) target_semaphore(%arg15 : memref<!tpu.dma_semaphore, #tpu.memory_space<semaphore_mem>>)
      %add3A_400 = arith.constant 5 : i32
      %add3A_401 = arith.addi %mul3A_280, %add3A_400 : i32
      %add3A_402 = arith.addi %mul3A_2, %add3A_401 : i32
      %dma_start3A_403 = arith.constant 0 : i32
      %dma_start3A_404 = arith.constant 0 : i32
      %dma_start3A_405 = tpu.memref_slice %arg4[%add3A_402, %dma_start3A_403, %dma_start3A_404] : memref<4096x50x128xf32, #tpu.memory_space<hbm>> -> memref<1x50x128xf32, #tpu.memory_space<hbm>>
      %dma_start3A_406 = tpu.memref_squeeze %dma_start3A_405 : memref<1x50x128xf32, #tpu.memory_space<hbm>> -> memref<50x128xf32, #tpu.memory_space<hbm>>
      %dma_start3A_407 = arith.constant 0 : i32
      %dma_start3A_408 = arith.constant 0 : i32
      %dma_start3A_409 = tpu.memref_slice %arg4[%add3A_402, %dma_start3A_407, %dma_start3A_408] : memref<4096x50x128xf32, #tpu.memory_space<hbm>> -> memref<1x50x128xf32, #tpu.memory_space<hbm>>
      %dma_start3A_410 = tpu.memref_squeeze %dma_start3A_409 : memref<1x50x128xf32, #tpu.memory_space<hbm>> -> memref<50x128xf32, #tpu.memory_space<hbm>>
      tpu.enqueue_dma source(%arg11 : memref<50x128xf32, #tpu.memory_space<vmem>>) target(%dma_start3A_410 : memref<50x128xf32, #tpu.memory_space<hbm>>) target_semaphore(%arg15 : memref<!tpu.dma_semaphore, #tpu.memory_space<semaphore_mem>>)
      %add3A_411 = arith.constant 6 : i32
      %add3A_412 = arith.addi %mul3A_280, %add3A_411 : i32
      %add3A_413 = arith.addi %mul3A_2, %add3A_412 : i32
      %dma_start3A_414 = arith.constant 0 : i32
      %dma_start3A_415 = arith.constant 0 : i32
      %dma_start3A_416 = tpu.memref_slice %arg4[%add3A_413, %dma_start3A_414, %dma_start3A_415] : memref<4096x50x128xf32, #tpu.memory_space<hbm>> -> memref<1x50x128xf32, #tpu.memory_space<hbm>>
      %dma_start3A_417 = tpu.memref_squeeze %dma_start3A_416 : memref<1x50x128xf32, #tpu.memory_space<hbm>> -> memref<50x128xf32, #tpu.memory_space<hbm>>
      %dma_start3A_418 = arith.constant 0 : i32
      %dma_start3A_419 = arith.constant 0 : i32
      %dma_start3A_420 = tpu.memref_slice %arg4[%add3A_413, %dma_start3A_418, %dma_start3A_419] : memref<4096x50x128xf32, #tpu.memory_space<hbm>> -> memref<1x50x128xf32, #tpu.memory_space<hbm>>
      %dma_start3A_421 = tpu.memref_squeeze %dma_start3A_420 : memref<1x50x128xf32, #tpu.memory_space<hbm>> -> memref<50x128xf32, #tpu.memory_space<hbm>>
      tpu.enqueue_dma source(%arg12 : memref<50x128xf32, #tpu.memory_space<vmem>>) target(%dma_start3A_421 : memref<50x128xf32, #tpu.memory_space<hbm>>) target_semaphore(%arg15 : memref<!tpu.dma_semaphore, #tpu.memory_space<semaphore_mem>>)
      %add3A_422 = arith.constant 7 : i32
      %add3A_423 = arith.addi %mul3A_280, %add3A_422 : i32
      %add3A_424 = arith.addi %mul3A_2, %add3A_423 : i32
      %dma_start3A_425 = arith.constant 0 : i32
      %dma_start3A_426 = arith.constant 0 : i32
      %dma_start3A_427 = tpu.memref_slice %arg4[%add3A_424, %dma_start3A_425, %dma_start3A_426] : memref<4096x50x128xf32, #tpu.memory_space<hbm>> -> memref<1x50x128xf32, #tpu.memory_space<hbm>>
      %dma_start3A_428 = tpu.memref_squeeze %dma_start3A_427 : memref<1x50x128xf32, #tpu.memory_space<hbm>> -> memref<50x128xf32, #tpu.memory_space<hbm>>
      %dma_start3A_429 = arith.constant 0 : i32
      %dma_start3A_430 = arith.constant 0 : i32
      %dma_start3A_431 = tpu.memref_slice %arg4[%add3A_424, %dma_start3A_429, %dma_start3A_430] : memref<4096x50x128xf32, #tpu.memory_space<hbm>> -> memref<1x50x128xf32, #tpu.memory_space<hbm>>
      %dma_start3A_432 = tpu.memref_squeeze %dma_start3A_431 : memref<1x50x128xf32, #tpu.memory_space<hbm>> -> memref<50x128xf32, #tpu.memory_space<hbm>>
      tpu.enqueue_dma source(%arg13 : memref<50x128xf32, #tpu.memory_space<vmem>>) target(%dma_start3A_432 : memref<50x128xf32, #tpu.memory_space<hbm>>) target_semaphore(%arg15 : memref<!tpu.dma_semaphore, #tpu.memory_space<semaphore_mem>>)
      %add3A_433 = arith.constant 0 : i32
      %add3A_434 = arith.addi %mul3A_280, %add3A_433 : i32
      %add3A_435 = arith.addi %mul3A_2, %add3A_434 : i32
      %dma_wait3A_436 = arith.constant 0 : i32
      %dma_wait3A_437 = arith.constant 0 : i32
      %dma_wait3A_438 = tpu.memref_slice %arg4[%add3A_435, %dma_wait3A_436, %dma_wait3A_437] : memref<4096x50x128xf32, #tpu.memory_space<hbm>> -> memref<1x50x128xf32, #tpu.memory_space<hbm>>
      %dma_wait3A_439 = tpu.memref_squeeze %dma_wait3A_438 : memref<1x50x128xf32, #tpu.memory_space<hbm>> -> memref<50x128xf32, #tpu.memory_space<hbm>>
      %dma_wait3A_440 = arith.constant 0 : i32
      %dma_wait3A_441 = arith.constant 0 : i32
      %dma_wait3A_442 = tpu.memref_slice %arg4[%add3A_435, %dma_wait3A_440, %dma_wait3A_441] : memref<4096x50x128xf32, #tpu.memory_space<hbm>> -> memref<1x50x128xf32, #tpu.memory_space<hbm>>
      %dma_wait3A_443 = tpu.memref_squeeze %dma_wait3A_442 : memref<1x50x128xf32, #tpu.memory_space<hbm>> -> memref<50x128xf32, #tpu.memory_space<hbm>>
      tpu.wait_dma2 semaphore(%arg15 : memref<!tpu.dma_semaphore, #tpu.memory_space<semaphore_mem>>) src(%arg6 : memref<50x128xf32, #tpu.memory_space<vmem>>) dst(%dma_wait3A_443 : memref<50x128xf32, #tpu.memory_space<hbm>>)
      %add3A_444 = arith.constant 1 : i32
      %add3A_445 = arith.addi %mul3A_280, %add3A_444 : i32
      %add3A_446 = arith.addi %mul3A_2, %add3A_445 : i32
      %dma_wait3A_447 = arith.constant 0 : i32
      %dma_wait3A_448 = arith.constant 0 : i32
      %dma_wait3A_449 = tpu.memref_slice %arg4[%add3A_446, %dma_wait3A_447, %dma_wait3A_448] : memref<4096x50x128xf32, #tpu.memory_space<hbm>> -> memref<1x50x128xf32, #tpu.memory_space<hbm>>
      %dma_wait3A_450 = tpu.memref_squeeze %dma_wait3A_449 : memref<1x50x128xf32, #tpu.memory_space<hbm>> -> memref<50x128xf32, #tpu.memory_space<hbm>>
      %dma_wait3A_451 = arith.constant 0 : i32
      %dma_wait3A_452 = arith.constant 0 : i32
      %dma_wait3A_453 = tpu.memref_slice %arg4[%add3A_446, %dma_wait3A_451, %dma_wait3A_452] : memref<4096x50x128xf32, #tpu.memory_space<hbm>> -> memref<1x50x128xf32, #tpu.memory_space<hbm>>
      %dma_wait3A_454 = tpu.memref_squeeze %dma_wait3A_453 : memref<1x50x128xf32, #tpu.memory_space<hbm>> -> memref<50x128xf32, #tpu.memory_space<hbm>>
      tpu.wait_dma2 semaphore(%arg15 : memref<!tpu.dma_semaphore, #tpu.memory_space<semaphore_mem>>) src(%arg7 : memref<50x128xf32, #tpu.memory_space<vmem>>) dst(%dma_wait3A_454 : memref<50x128xf32, #tpu.memory_space<hbm>>)
      %add3A_455 = arith.constant 2 : i32
      %add3A_456 = arith.addi %mul3A_280, %add3A_455 : i32
      %add3A_457 = arith.addi %mul3A_2, %add3A_456 : i32
      %dma_wait3A_458 = arith.constant 0 : i32
      %dma_wait3A_459 = arith.constant 0 : i32
      %dma_wait3A_460 = tpu.memref_slice %arg4[%add3A_457, %dma_wait3A_458, %dma_wait3A_459] : memref<4096x50x128xf32, #tpu.memory_space<hbm>> -> memref<1x50x128xf32, #tpu.memory_space<hbm>>
      %dma_wait3A_461 = tpu.memref_squeeze %dma_wait3A_460 : memref<1x50x128xf32, #tpu.memory_space<hbm>> -> memref<50x128xf32, #tpu.memory_space<hbm>>
      %dma_wait3A_462 = arith.constant 0 : i32
      %dma_wait3A_463 = arith.constant 0 : i32
      %dma_wait3A_464 = tpu.memref_slice %arg4[%add3A_457, %dma_wait3A_462, %dma_wait3A_463] : memref<4096x50x128xf32, #tpu.memory_space<hbm>> -> memref<1x50x128xf32, #tpu.memory_space<hbm>>
      %dma_wait3A_465 = tpu.memref_squeeze %dma_wait3A_464 : memref<1x50x128xf32, #tpu.memory_space<hbm>> -> memref<50x128xf32, #tpu.memory_space<hbm>>
      tpu.wait_dma2 semaphore(%arg15 : memref<!tpu.dma_semaphore, #tpu.memory_space<semaphore_mem>>) src(%arg8 : memref<50x128xf32, #tpu.memory_space<vmem>>) dst(%dma_wait3A_465 : memref<50x128xf32, #tpu.memory_space<hbm>>)
      %add3A_466 = arith.constant 3 : i32
      %add3A_467 = arith.addi %mul3A_280, %add3A_466 : i32
      %add3A_468 = arith.addi %mul3A_2, %add3A_467 : i32
      %dma_wait3A_469 = arith.constant 0 : i32
      %dma_wait3A_470 = arith.constant 0 : i32
      %dma_wait3A_471 = tpu.memref_slice %arg4[%add3A_468, %dma_wait3A_469, %dma_wait3A_470] : memref<4096x50x128xf32, #tpu.memory_space<hbm>> -> memref<1x50x128xf32, #tpu.memory_space<hbm>>
      %dma_wait3A_472 = tpu.memref_squeeze %dma_wait3A_471 : memref<1x50x128xf32, #tpu.memory_space<hbm>> -> memref<50x128xf32, #tpu.memory_space<hbm>>
      %dma_wait3A_473 = arith.constant 0 : i32
      %dma_wait3A_474 = arith.constant 0 : i32
      %dma_wait3A_475 = tpu.memref_slice %arg4[%add3A_468, %dma_wait3A_473, %dma_wait3A_474] : memref<4096x50x128xf32, #tpu.memory_space<hbm>> -> memref<1x50x128xf32, #tpu.memory_space<hbm>>
      %dma_wait3A_476 = tpu.memref_squeeze %dma_wait3A_475 : memref<1x50x128xf32, #tpu.memory_space<hbm>> -> memref<50x128xf32, #tpu.memory_space<hbm>>
      tpu.wait_dma2 semaphore(%arg15 : memref<!tpu.dma_semaphore, #tpu.memory_space<semaphore_mem>>) src(%arg9 : memref<50x128xf32, #tpu.memory_space<vmem>>) dst(%dma_wait3A_476 : memref<50x128xf32, #tpu.memory_space<hbm>>)
      %add3A_477 = arith.constant 4 : i32
      %add3A_478 = arith.addi %mul3A_280, %add3A_477 : i32
      %add3A_479 = arith.addi %mul3A_2, %add3A_478 : i32
      %dma_wait3A_480 = arith.constant 0 : i32
      %dma_wait3A_481 = arith.constant 0 : i32
      %dma_wait3A_482 = tpu.memref_slice %arg4[%add3A_479, %dma_wait3A_480, %dma_wait3A_481] : memref<4096x50x128xf32, #tpu.memory_space<hbm>> -> memref<1x50x128xf32, #tpu.memory_space<hbm>>
      %dma_wait3A_483 = tpu.memref_squeeze %dma_wait3A_482 : memref<1x50x128xf32, #tpu.memory_space<hbm>> -> memref<50x128xf32, #tpu.memory_space<hbm>>
      %dma_wait3A_484 = arith.constant 0 : i32
      %dma_wait3A_485 = arith.constant 0 : i32
      %dma_wait3A_486 = tpu.memref_slice %arg4[%add3A_479, %dma_wait3A_484, %dma_wait3A_485] : memref<4096x50x128xf32, #tpu.memory_space<hbm>> -> memref<1x50x128xf32, #tpu.memory_space<hbm>>
      %dma_wait3A_487 = tpu.memref_squeeze %dma_wait3A_486 : memref<1x50x128xf32, #tpu.memory_space<hbm>> -> memref<50x128xf32, #tpu.memory_space<hbm>>
      tpu.wait_dma2 semaphore(%arg15 : memref<!tpu.dma_semaphore, #tpu.memory_space<semaphore_mem>>) src(%arg10 : memref<50x128xf32, #tpu.memory_space<vmem>>) dst(%dma_wait3A_487 : memref<50x128xf32, #tpu.memory_space<hbm>>)
      %add3A_488 = arith.constant 5 : i32
      %add3A_489 = arith.addi %mul3A_280, %add3A_488 : i32
      %add3A_490 = arith.addi %mul3A_2, %add3A_489 : i32
      %dma_wait3A_491 = arith.constant 0 : i32
      %dma_wait3A_492 = arith.constant 0 : i32
      %dma_wait3A_493 = tpu.memref_slice %arg4[%add3A_490, %dma_wait3A_491, %dma_wait3A_492] : memref<4096x50x128xf32, #tpu.memory_space<hbm>> -> memref<1x50x128xf32, #tpu.memory_space<hbm>>
      %dma_wait3A_494 = tpu.memref_squeeze %dma_wait3A_493 : memref<1x50x128xf32, #tpu.memory_space<hbm>> -> memref<50x128xf32, #tpu.memory_space<hbm>>
      %dma_wait3A_495 = arith.constant 0 : i32
      %dma_wait3A_496 = arith.constant 0 : i32
      %dma_wait3A_497 = tpu.memref_slice %arg4[%add3A_490, %dma_wait3A_495, %dma_wait3A_496] : memref<4096x50x128xf32, #tpu.memory_space<hbm>> -> memref<1x50x128xf32, #tpu.memory_space<hbm>>
      %dma_wait3A_498 = tpu.memref_squeeze %dma_wait3A_497 : memref<1x50x128xf32, #tpu.memory_space<hbm>> -> memref<50x128xf32, #tpu.memory_space<hbm>>
      tpu.wait_dma2 semaphore(%arg15 : memref<!tpu.dma_semaphore, #tpu.memory_space<semaphore_mem>>) src(%arg11 : memref<50x128xf32, #tpu.memory_space<vmem>>) dst(%dma_wait3A_498 : memref<50x128xf32, #tpu.memory_space<hbm>>)
      %add3A_499 = arith.constant 6 : i32
      %add3A_500 = arith.addi %mul3A_280, %add3A_499 : i32
      %add3A_501 = arith.addi %mul3A_2, %add3A_500 : i32
      %dma_wait3A_502 = arith.constant 0 : i32
      %dma_wait3A_503 = arith.constant 0 : i32
      %dma_wait3A_504 = tpu.memref_slice %arg4[%add3A_501, %dma_wait3A_502, %dma_wait3A_503] : memref<4096x50x128xf32, #tpu.memory_space<hbm>> -> memref<1x50x128xf32, #tpu.memory_space<hbm>>
      %dma_wait3A_505 = tpu.memref_squeeze %dma_wait3A_504 : memref<1x50x128xf32, #tpu.memory_space<hbm>> -> memref<50x128xf32, #tpu.memory_space<hbm>>
      %dma_wait3A_506 = arith.constant 0 : i32
      %dma_wait3A_507 = arith.constant 0 : i32
      %dma_wait3A_508 = tpu.memref_slice %arg4[%add3A_501, %dma_wait3A_506, %dma_wait3A_507] : memref<4096x50x128xf32, #tpu.memory_space<hbm>> -> memref<1x50x128xf32, #tpu.memory_space<hbm>>
      %dma_wait3A_509 = tpu.memref_squeeze %dma_wait3A_508 : memref<1x50x128xf32, #tpu.memory_space<hbm>> -> memref<50x128xf32, #tpu.memory_space<hbm>>
      tpu.wait_dma2 semaphore(%arg15 : memref<!tpu.dma_semaphore, #tpu.memory_space<semaphore_mem>>) src(%arg12 : memref<50x128xf32, #tpu.memory_space<vmem>>) dst(%dma_wait3A_509 : memref<50x128xf32, #tpu.memory_space<hbm>>)
      %add3A_510 = arith.constant 7 : i32
      %add3A_511 = arith.addi %mul3A_280, %add3A_510 : i32
      %add3A_512 = arith.addi %mul3A_2, %add3A_511 : i32
      %dma_wait3A_513 = arith.constant 0 : i32
      %dma_wait3A_514 = arith.constant 0 : i32
      %dma_wait3A_515 = tpu.memref_slice %arg4[%add3A_512, %dma_wait3A_513, %dma_wait3A_514] : memref<4096x50x128xf32, #tpu.memory_space<hbm>> -> memref<1x50x128xf32, #tpu.memory_space<hbm>>
      %dma_wait3A_516 = tpu.memref_squeeze %dma_wait3A_515 : memref<1x50x128xf32, #tpu.memory_space<hbm>> -> memref<50x128xf32, #tpu.memory_space<hbm>>
      %dma_wait3A_517 = arith.constant 0 : i32
      %dma_wait3A_518 = arith.constant 0 : i32
      %dma_wait3A_519 = tpu.memref_slice %arg4[%add3A_512, %dma_wait3A_517, %dma_wait3A_518] : memref<4096x50x128xf32, #tpu.memory_space<hbm>> -> memref<1x50x128xf32, #tpu.memory_space<hbm>>
      %dma_wait3A_520 = tpu.memref_squeeze %dma_wait3A_519 : memref<1x50x128xf32, #tpu.memory_space<hbm>> -> memref<50x128xf32, #tpu.memory_space<hbm>>
      tpu.wait_dma2 semaphore(%arg15 : memref<!tpu.dma_semaphore, #tpu.memory_space<semaphore_mem>>) src(%arg13 : memref<50x128xf32, #tpu.memory_space<vmem>>) dst(%dma_wait3A_520 : memref<50x128xf32, #tpu.memory_space<hbm>>)
      %add3A_521 = arith.constant 8 : i32
      %add3A_522 = arith.addi %mul3A_280, %add3A_521 : i32
      %add3A_523 = arith.constant 0 : i32
      %add3A_524 = arith.addi %add3A_522, %add3A_523 : i32
      %dma_start3A_525 = arith.constant 0 : i32
      %dma_start3A_526 = tpu.memref_slice %arg5[%add3A_524, %dma_start3A_525] : memref<128x50xi32, #tpu.memory_space<vmem>> -> memref<1x50xi32, #tpu.memory_space<vmem>>
      %dma_start3A_527 = tpu.memref_squeeze %dma_start3A_526 : memref<1x50xi32, #tpu.memory_space<vmem>> -> memref<50xi32, #tpu.memory_space<vmem>>
      %dma_start3A_528 = arith.constant 0 : i32
      %dma_start3A_529 = arith.constant 0 : i32
      %dma_start3A_530 = tpu.memref_slice %arg3[%dma_start3A_528, %dma_start3A_529] : memref<1000x128xf32, #tpu.memory_space<hbm>> -> memref<1000x128xf32, #tpu.memory_space<hbm>>
      tpu.enqueue_indirect_dma source(%dma_start3A_530 : memref<1000x128xf32, #tpu.memory_space<hbm>>) target(%arg6 : memref<50x128xf32, #tpu.memory_space<vmem>>) offsets(%dma_start3A_527 : memref<50xi32, #tpu.memory_space<vmem>>) semaphore(%arg14 : memref<!tpu.dma_semaphore, #tpu.memory_space<semaphore_mem>>)
      %add3A_531 = arith.constant 8 : i32
      %add3A_532 = arith.addi %mul3A_280, %add3A_531 : i32
      %add3A_533 = arith.constant 1 : i32
      %add3A_534 = arith.addi %add3A_532, %add3A_533 : i32
      %dma_start3A_535 = arith.constant 0 : i32
      %dma_start3A_536 = tpu.memref_slice %arg5[%add3A_534, %dma_start3A_535] : memref<128x50xi32, #tpu.memory_space<vmem>> -> memref<1x50xi32, #tpu.memory_space<vmem>>
      %dma_start3A_537 = tpu.memref_squeeze %dma_start3A_536 : memref<1x50xi32, #tpu.memory_space<vmem>> -> memref<50xi32, #tpu.memory_space<vmem>>
      %dma_start3A_538 = arith.constant 0 : i32
      %dma_start3A_539 = arith.constant 0 : i32
      %dma_start3A_540 = tpu.memref_slice %arg3[%dma_start3A_538, %dma_start3A_539] : memref<1000x128xf32, #tpu.memory_space<hbm>> -> memref<1000x128xf32, #tpu.memory_space<hbm>>
      tpu.enqueue_indirect_dma source(%dma_start3A_540 : memref<1000x128xf32, #tpu.memory_space<hbm>>) target(%arg7 : memref<50x128xf32, #tpu.memory_space<vmem>>) offsets(%dma_start3A_537 : memref<50xi32, #tpu.memory_space<vmem>>) semaphore(%arg14 : memref<!tpu.dma_semaphore, #tpu.memory_space<semaphore_mem>>)
      %add3A_541 = arith.constant 8 : i32
      %add3A_542 = arith.addi %mul3A_280, %add3A_541 : i32
      %add3A_543 = arith.constant 2 : i32
      %add3A_544 = arith.addi %add3A_542, %add3A_543 : i32
      %dma_start3A_545 = arith.constant 0 : i32
      %dma_start3A_546 = tpu.memref_slice %arg5[%add3A_544, %dma_start3A_545] : memref<128x50xi32, #tpu.memory_space<vmem>> -> memref<1x50xi32, #tpu.memory_space<vmem>>
      %dma_start3A_547 = tpu.memref_squeeze %dma_start3A_546 : memref<1x50xi32, #tpu.memory_space<vmem>> -> memref<50xi32, #tpu.memory_space<vmem>>
      %dma_start3A_548 = arith.constant 0 : i32
      %dma_start3A_549 = arith.constant 0 : i32
      %dma_start3A_550 = tpu.memref_slice %arg3[%dma_start3A_548, %dma_start3A_549] : memref<1000x128xf32, #tpu.memory_space<hbm>> -> memref<1000x128xf32, #tpu.memory_space<hbm>>
      tpu.enqueue_indirect_dma source(%dma_start3A_550 : memref<1000x128xf32, #tpu.memory_space<hbm>>) target(%arg8 : memref<50x128xf32, #tpu.memory_space<vmem>>) offsets(%dma_start3A_547 : memref<50xi32, #tpu.memory_space<vmem>>) semaphore(%arg14 : memref<!tpu.dma_semaphore, #tpu.memory_space<semaphore_mem>>)
      %add3A_551 = arith.constant 8 : i32
      %add3A_552 = arith.addi %mul3A_280, %add3A_551 : i32
      %add3A_553 = arith.constant 3 : i32
      %add3A_554 = arith.addi %add3A_552, %add3A_553 : i32
      %dma_start3A_555 = arith.constant 0 : i32
      %dma_start3A_556 = tpu.memref_slice %arg5[%add3A_554, %dma_start3A_555] : memref<128x50xi32, #tpu.memory_space<vmem>> -> memref<1x50xi32, #tpu.memory_space<vmem>>
      %dma_start3A_557 = tpu.memref_squeeze %dma_start3A_556 : memref<1x50xi32, #tpu.memory_space<vmem>> -> memref<50xi32, #tpu.memory_space<vmem>>
      %dma_start3A_558 = arith.constant 0 : i32
      %dma_start3A_559 = arith.constant 0 : i32
      %dma_start3A_560 = tpu.memref_slice %arg3[%dma_start3A_558, %dma_start3A_559] : memref<1000x128xf32, #tpu.memory_space<hbm>> -> memref<1000x128xf32, #tpu.memory_space<hbm>>
      tpu.enqueue_indirect_dma source(%dma_start3A_560 : memref<1000x128xf32, #tpu.memory_space<hbm>>) target(%arg9 : memref<50x128xf32, #tpu.memory_space<vmem>>) offsets(%dma_start3A_557 : memref<50xi32, #tpu.memory_space<vmem>>) semaphore(%arg14 : memref<!tpu.dma_semaphore, #tpu.memory_space<semaphore_mem>>)
      %add3A_561 = arith.constant 8 : i32
      %add3A_562 = arith.addi %mul3A_280, %add3A_561 : i32
      %add3A_563 = arith.constant 4 : i32
      %add3A_564 = arith.addi %add3A_562, %add3A_563 : i32
      %dma_start3A_565 = arith.constant 0 : i32
      %dma_start3A_566 = tpu.memref_slice %arg5[%add3A_564, %dma_start3A_565] : memref<128x50xi32, #tpu.memory_space<vmem>> -> memref<1x50xi32, #tpu.memory_space<vmem>>
      %dma_start3A_567 = tpu.memref_squeeze %dma_start3A_566 : memref<1x50xi32, #tpu.memory_space<vmem>> -> memref<50xi32, #tpu.memory_space<vmem>>
      %dma_start3A_568 = arith.constant 0 : i32
      %dma_start3A_569 = arith.constant 0 : i32
      %dma_start3A_570 = tpu.memref_slice %arg3[%dma_start3A_568, %dma_start3A_569] : memref<1000x128xf32, #tpu.memory_space<hbm>> -> memref<1000x128xf32, #tpu.memory_space<hbm>>
      tpu.enqueue_indirect_dma source(%dma_start3A_570 : memref<1000x128xf32, #tpu.memory_space<hbm>>) target(%arg10 : memref<50x128xf32, #tpu.memory_space<vmem>>) offsets(%dma_start3A_567 : memref<50xi32, #tpu.memory_space<vmem>>) semaphore(%arg14 : memref<!tpu.dma_semaphore, #tpu.memory_space<semaphore_mem>>)
      %add3A_571 = arith.constant 8 : i32
      %add3A_572 = arith.addi %mul3A_280, %add3A_571 : i32
      %add3A_573 = arith.constant 5 : i32
      %add3A_574 = arith.addi %add3A_572, %add3A_573 : i32
      %dma_start3A_575 = arith.constant 0 : i32
      %dma_start3A_576 = tpu.memref_slice %arg5[%add3A_574, %dma_start3A_575] : memref<128x50xi32, #tpu.memory_space<vmem>> -> memref<1x50xi32, #tpu.memory_space<vmem>>
      %dma_start3A_577 = tpu.memref_squeeze %dma_start3A_576 : memref<1x50xi32, #tpu.memory_space<vmem>> -> memref<50xi32, #tpu.memory_space<vmem>>
      %dma_start3A_578 = arith.constant 0 : i32
      %dma_start3A_579 = arith.constant 0 : i32
      %dma_start3A_580 = tpu.memref_slice %arg3[%dma_start3A_578, %dma_start3A_579] : memref<1000x128xf32, #tpu.memory_space<hbm>> -> memref<1000x128xf32, #tpu.memory_space<hbm>>
      tpu.enqueue_indirect_dma source(%dma_start3A_580 : memref<1000x128xf32, #tpu.memory_space<hbm>>) target(%arg11 : memref<50x128xf32, #tpu.memory_space<vmem>>) offsets(%dma_start3A_577 : memref<50xi32, #tpu.memory_space<vmem>>) semaphore(%arg14 : memref<!tpu.dma_semaphore, #tpu.memory_space<semaphore_mem>>)
      %add3A_581 = arith.constant 8 : i32
      %add3A_582 = arith.addi %mul3A_280, %add3A_581 : i32
      %add3A_583 = arith.constant 6 : i32
      %add3A_584 = arith.addi %add3A_582, %add3A_583 : i32
      %dma_start3A_585 = arith.constant 0 : i32
      %dma_start3A_586 = tpu.memref_slice %arg5[%add3A_584, %dma_start3A_585] : memref<128x50xi32, #tpu.memory_space<vmem>> -> memref<1x50xi32, #tpu.memory_space<vmem>>
      %dma_start3A_587 = tpu.memref_squeeze %dma_start3A_586 : memref<1x50xi32, #tpu.memory_space<vmem>> -> memref<50xi32, #tpu.memory_space<vmem>>
      %dma_start3A_588 = arith.constant 0 : i32
      %dma_start3A_589 = arith.constant 0 : i32
      %dma_start3A_590 = tpu.memref_slice %arg3[%dma_start3A_588, %dma_start3A_589] : memref<1000x128xf32, #tpu.memory_space<hbm>> -> memref<1000x128xf32, #tpu.memory_space<hbm>>
      tpu.enqueue_indirect_dma source(%dma_start3A_590 : memref<1000x128xf32, #tpu.memory_space<hbm>>) target(%arg12 : memref<50x128xf32, #tpu.memory_space<vmem>>) offsets(%dma_start3A_587 : memref<50xi32, #tpu.memory_space<vmem>>) semaphore(%arg14 : memref<!tpu.dma_semaphore, #tpu.memory_space<semaphore_mem>>)
      %add3A_591 = arith.constant 8 : i32
      %add3A_592 = arith.addi %mul3A_280, %add3A_591 : i32
      %add3A_593 = arith.constant 7 : i32
      %add3A_594 = arith.addi %add3A_592, %add3A_593 : i32
      %dma_start3A_595 = arith.constant 0 : i32
      %dma_start3A_596 = tpu.memref_slice %arg5[%add3A_594, %dma_start3A_595] : memref<128x50xi32, #tpu.memory_space<vmem>> -> memref<1x50xi32, #tpu.memory_space<vmem>>
      %dma_start3A_597 = tpu.memref_squeeze %dma_start3A_596 : memref<1x50xi32, #tpu.memory_space<vmem>> -> memref<50xi32, #tpu.memory_space<vmem>>
      %dma_start3A_598 = arith.constant 0 : i32
      %dma_start3A_599 = arith.constant 0 : i32
      %dma_start3A_600 = tpu.memref_slice %arg3[%dma_start3A_598, %dma_start3A_599] : memref<1000x128xf32, #tpu.memory_space<hbm>> -> memref<1000x128xf32, #tpu.memory_space<hbm>>
      tpu.enqueue_indirect_dma source(%dma_start3A_600 : memref<1000x128xf32, #tpu.memory_space<hbm>>) target(%arg13 : memref<50x128xf32, #tpu.memory_space<vmem>>) offsets(%dma_start3A_597 : memref<50xi32, #tpu.memory_space<vmem>>) semaphore(%arg14 : memref<!tpu.dma_semaphore, #tpu.memory_space<semaphore_mem>>)
    }
    %scan3A_62 = arith.constant 15 : i32
    %dma_wait3A = arith.constant 120 : i32
    %dma_wait3A_63 = arith.constant 0 : i32
    %dma_wait3A_64 = tpu.memref_slice %arg5[%dma_wait3A, %dma_wait3A_63] : memref<128x50xi32, #tpu.memory_space<vmem>> -> memref<1x50xi32, #tpu.memory_space<vmem>>
    %dma_wait3A_65 = tpu.memref_squeeze %dma_wait3A_64 : memref<1x50xi32, #tpu.memory_space<vmem>> -> memref<50xi32, #tpu.memory_space<vmem>>
    %dma_wait3A_66 = arith.constant 0 : i32
    %dma_wait3A_67 = arith.constant 0 : i32
    %dma_wait3A_68 = tpu.memref_slice %arg3[%dma_wait3A_66, %dma_wait3A_67] : memref<1000x128xf32, #tpu.memory_space<hbm>> -> memref<1000x128xf32, #tpu.memory_space<hbm>>
    tpu.wait_indirect_dma semaphore(%arg14 : memref<!tpu.dma_semaphore, #tpu.memory_space<semaphore_mem>>) src(%dma_wait3A_68 : memref<1000x128xf32, #tpu.memory_space<hbm>>) dst(%arg6 : memref<50x128xf32, #tpu.memory_space<vmem>>)
    %dma_wait3A_69 = arith.constant 121 : i32
    %dma_wait3A_70 = arith.constant 0 : i32
    %dma_wait3A_71 = tpu.memref_slice %arg5[%dma_wait3A_69, %dma_wait3A_70] : memref<128x50xi32, #tpu.memory_space<vmem>> -> memref<1x50xi32, #tpu.memory_space<vmem>>
    %dma_wait3A_72 = tpu.memref_squeeze %dma_wait3A_71 : memref<1x50xi32, #tpu.memory_space<vmem>> -> memref<50xi32, #tpu.memory_space<vmem>>
    %dma_wait3A_73 = arith.constant 0 : i32
    %dma_wait3A_74 = arith.constant 0 : i32
    %dma_wait3A_75 = tpu.memref_slice %arg3[%dma_wait3A_73, %dma_wait3A_74] : memref<1000x128xf32, #tpu.memory_space<hbm>> -> memref<1000x128xf32, #tpu.memory_space<hbm>>
    tpu.wait_indirect_dma semaphore(%arg14 : memref<!tpu.dma_semaphore, #tpu.memory_space<semaphore_mem>>) src(%dma_wait3A_75 : memref<1000x128xf32, #tpu.memory_space<hbm>>) dst(%arg7 : memref<50x128xf32, #tpu.memory_space<vmem>>)
    %dma_wait3A_76 = arith.constant 122 : i32
    %dma_wait3A_77 = arith.constant 0 : i32
    %dma_wait3A_78 = tpu.memref_slice %arg5[%dma_wait3A_76, %dma_wait3A_77] : memref<128x50xi32, #tpu.memory_space<vmem>> -> memref<1x50xi32, #tpu.memory_space<vmem>>
    %dma_wait3A_79 = tpu.memref_squeeze %dma_wait3A_78 : memref<1x50xi32, #tpu.memory_space<vmem>> -> memref<50xi32, #tpu.memory_space<vmem>>
    %dma_wait3A_80 = arith.constant 0 : i32
    %dma_wait3A_81 = arith.constant 0 : i32
    %dma_wait3A_82 = tpu.memref_slice %arg3[%dma_wait3A_80, %dma_wait3A_81] : memref<1000x128xf32, #tpu.memory_space<hbm>> -> memref<1000x128xf32, #tpu.memory_space<hbm>>
    tpu.wait_indirect_dma semaphore(%arg14 : memref<!tpu.dma_semaphore, #tpu.memory_space<semaphore_mem>>) src(%dma_wait3A_82 : memref<1000x128xf32, #tpu.memory_space<hbm>>) dst(%arg8 : memref<50x128xf32, #tpu.memory_space<vmem>>)
    %dma_wait3A_83 = arith.constant 123 : i32
    %dma_wait3A_84 = arith.constant 0 : i32
    %dma_wait3A_85 = tpu.memref_slice %arg5[%dma_wait3A_83, %dma_wait3A_84] : memref<128x50xi32, #tpu.memory_space<vmem>> -> memref<1x50xi32, #tpu.memory_space<vmem>>
    %dma_wait3A_86 = tpu.memref_squeeze %dma_wait3A_85 : memref<1x50xi32, #tpu.memory_space<vmem>> -> memref<50xi32, #tpu.memory_space<vmem>>
    %dma_wait3A_87 = arith.constant 0 : i32
    %dma_wait3A_88 = arith.constant 0 : i32
    %dma_wait3A_89 = tpu.memref_slice %arg3[%dma_wait3A_87, %dma_wait3A_88] : memref<1000x128xf32, #tpu.memory_space<hbm>> -> memref<1000x128xf32, #tpu.memory_space<hbm>>
    tpu.wait_indirect_dma semaphore(%arg14 : memref<!tpu.dma_semaphore, #tpu.memory_space<semaphore_mem>>) src(%dma_wait3A_89 : memref<1000x128xf32, #tpu.memory_space<hbm>>) dst(%arg9 : memref<50x128xf32, #tpu.memory_space<vmem>>)
    %dma_wait3A_90 = arith.constant 124 : i32
    %dma_wait3A_91 = arith.constant 0 : i32
    %dma_wait3A_92 = tpu.memref_slice %arg5[%dma_wait3A_90, %dma_wait3A_91] : memref<128x50xi32, #tpu.memory_space<vmem>> -> memref<1x50xi32, #tpu.memory_space<vmem>>
    %dma_wait3A_93 = tpu.memref_squeeze %dma_wait3A_92 : memref<1x50xi32, #tpu.memory_space<vmem>> -> memref<50xi32, #tpu.memory_space<vmem>>
    %dma_wait3A_94 = arith.constant 0 : i32
    %dma_wait3A_95 = arith.constant 0 : i32
    %dma_wait3A_96 = tpu.memref_slice %arg3[%dma_wait3A_94, %dma_wait3A_95] : memref<1000x128xf32, #tpu.memory_space<hbm>> -> memref<1000x128xf32, #tpu.memory_space<hbm>>
    tpu.wait_indirect_dma semaphore(%arg14 : memref<!tpu.dma_semaphore, #tpu.memory_space<semaphore_mem>>) src(%dma_wait3A_96 : memref<1000x128xf32, #tpu.memory_space<hbm>>) dst(%arg10 : memref<50x128xf32, #tpu.memory_space<vmem>>)
    %dma_wait3A_97 = arith.constant 125 : i32
    %dma_wait3A_98 = arith.constant 0 : i32
    %dma_wait3A_99 = tpu.memref_slice %arg5[%dma_wait3A_97, %dma_wait3A_98] : memref<128x50xi32, #tpu.memory_space<vmem>> -> memref<1x50xi32, #tpu.memory_space<vmem>>
    %dma_wait3A_100 = tpu.memref_squeeze %dma_wait3A_99 : memref<1x50xi32, #tpu.memory_space<vmem>> -> memref<50xi32, #tpu.memory_space<vmem>>
    %dma_wait3A_101 = arith.constant 0 : i32
    %dma_wait3A_102 = arith.constant 0 : i32
    %dma_wait3A_103 = tpu.memref_slice %arg3[%dma_wait3A_101, %dma_wait3A_102] : memref<1000x128xf32, #tpu.memory_space<hbm>> -> memref<1000x128xf32, #tpu.memory_space<hbm>>
    tpu.wait_indirect_dma semaphore(%arg14 : memref<!tpu.dma_semaphore, #tpu.memory_space<semaphore_mem>>) src(%dma_wait3A_103 : memref<1000x128xf32, #tpu.memory_space<hbm>>) dst(%arg11 : memref<50x128xf32, #tpu.memory_space<vmem>>)
    %dma_wait3A_104 = arith.constant 126 : i32
    %dma_wait3A_105 = arith.constant 0 : i32
    %dma_wait3A_106 = tpu.memref_slice %arg5[%dma_wait3A_104, %dma_wait3A_105] : memref<128x50xi32, #tpu.memory_space<vmem>> -> memref<1x50xi32, #tpu.memory_space<vmem>>
    %dma_wait3A_107 = tpu.memref_squeeze %dma_wait3A_106 : memref<1x50xi32, #tpu.memory_space<vmem>> -> memref<50xi32, #tpu.memory_space<vmem>>
    %dma_wait3A_108 = arith.constant 0 : i32
    %dma_wait3A_109 = arith.constant 0 : i32
    %dma_wait3A_110 = tpu.memref_slice %arg3[%dma_wait3A_108, %dma_wait3A_109] : memref<1000x128xf32, #tpu.memory_space<hbm>> -> memref<1000x128xf32, #tpu.memory_space<hbm>>
    tpu.wait_indirect_dma semaphore(%arg14 : memref<!tpu.dma_semaphore, #tpu.memory_space<semaphore_mem>>) src(%dma_wait3A_110 : memref<1000x128xf32, #tpu.memory_space<hbm>>) dst(%arg12 : memref<50x128xf32, #tpu.memory_space<vmem>>)
    %dma_wait3A_111 = arith.constant 127 : i32
    %dma_wait3A_112 = arith.constant 0 : i32
    %dma_wait3A_113 = tpu.memref_slice %arg5[%dma_wait3A_111, %dma_wait3A_112] : memref<128x50xi32, #tpu.memory_space<vmem>> -> memref<1x50xi32, #tpu.memory_space<vmem>>
    %dma_wait3A_114 = tpu.memref_squeeze %dma_wait3A_113 : memref<1x50xi32, #tpu.memory_space<vmem>> -> memref<50xi32, #tpu.memory_space<vmem>>
    %dma_wait3A_115 = arith.constant 0 : i32
    %dma_wait3A_116 = arith.constant 0 : i32
    %dma_wait3A_117 = tpu.memref_slice %arg3[%dma_wait3A_115, %dma_wait3A_116] : memref<1000x128xf32, #tpu.memory_space<hbm>> -> memref<1000x128xf32, #tpu.memory_space<hbm>>
    tpu.wait_indirect_dma semaphore(%arg14 : memref<!tpu.dma_semaphore, #tpu.memory_space<semaphore_mem>>) src(%dma_wait3A_117 : memref<1000x128xf32, #tpu.memory_space<hbm>>) dst(%arg13 : memref<50x128xf32, #tpu.memory_space<vmem>>)
    %add3A_118 = arith.constant 120 : i32
    %add3A_119 = arith.addi %mul3A_2, %add3A_118 : i32
    %dma_start3A_120 = arith.constant 0 : i32
    %dma_start3A_121 = arith.constant 0 : i32
    %dma_start3A_122 = tpu.memref_slice %arg4[%add3A_119, %dma_start3A_120, %dma_start3A_121] : memref<4096x50x128xf32, #tpu.memory_space<hbm>> -> memref<1x50x128xf32, #tpu.memory_space<hbm>>
    %dma_start3A_123 = tpu.memref_squeeze %dma_start3A_122 : memref<1x50x128xf32, #tpu.memory_space<hbm>> -> memref<50x128xf32, #tpu.memory_space<hbm>>
    %dma_start3A_124 = arith.constant 0 : i32
    %dma_start3A_125 = arith.constant 0 : i32
    %dma_start3A_126 = tpu.memref_slice %arg4[%add3A_119, %dma_start3A_124, %dma_start3A_125] : memref<4096x50x128xf32, #tpu.memory_space<hbm>> -> memref<1x50x128xf32, #tpu.memory_space<hbm>>
    %dma_start3A_127 = tpu.memref_squeeze %dma_start3A_126 : memref<1x50x128xf32, #tpu.memory_space<hbm>> -> memref<50x128xf32, #tpu.memory_space<hbm>>
    tpu.enqueue_dma source(%arg6 : memref<50x128xf32, #tpu.memory_space<vmem>>) target(%dma_start3A_127 : memref<50x128xf32, #tpu.memory_space<hbm>>) target_semaphore(%arg15 : memref<!tpu.dma_semaphore, #tpu.memory_space<semaphore_mem>>)
    %add3A_128 = arith.constant 121 : i32
    %add3A_129 = arith.addi %mul3A_2, %add3A_128 : i32
    %dma_start3A_130 = arith.constant 0 : i32
    %dma_start3A_131 = arith.constant 0 : i32
    %dma_start3A_132 = tpu.memref_slice %arg4[%add3A_129, %dma_start3A_130, %dma_start3A_131] : memref<4096x50x128xf32, #tpu.memory_space<hbm>> -> memref<1x50x128xf32, #tpu.memory_space<hbm>>
    %dma_start3A_133 = tpu.memref_squeeze %dma_start3A_132 : memref<1x50x128xf32, #tpu.memory_space<hbm>> -> memref<50x128xf32, #tpu.memory_space<hbm>>
    %dma_start3A_134 = arith.constant 0 : i32
    %dma_start3A_135 = arith.constant 0 : i32
    %dma_start3A_136 = tpu.memref_slice %arg4[%add3A_129, %dma_start3A_134, %dma_start3A_135] : memref<4096x50x128xf32, #tpu.memory_space<hbm>> -> memref<1x50x128xf32, #tpu.memory_space<hbm>>
    %dma_start3A_137 = tpu.memref_squeeze %dma_start3A_136 : memref<1x50x128xf32, #tpu.memory_space<hbm>> -> memref<50x128xf32, #tpu.memory_space<hbm>>
    tpu.enqueue_dma source(%arg7 : memref<50x128xf32, #tpu.memory_space<vmem>>) target(%dma_start3A_137 : memref<50x128xf32, #tpu.memory_space<hbm>>) target_semaphore(%arg15 : memref<!tpu.dma_semaphore, #tpu.memory_space<semaphore_mem>>)
    %add3A_138 = arith.constant 122 : i32
    %add3A_139 = arith.addi %mul3A_2, %add3A_138 : i32
    %dma_start3A_140 = arith.constant 0 : i32
    %dma_start3A_141 = arith.constant 0 : i32
    %dma_start3A_142 = tpu.memref_slice %arg4[%add3A_139, %dma_start3A_140, %dma_start3A_141] : memref<4096x50x128xf32, #tpu.memory_space<hbm>> -> memref<1x50x128xf32, #tpu.memory_space<hbm>>
    %dma_start3A_143 = tpu.memref_squeeze %dma_start3A_142 : memref<1x50x128xf32, #tpu.memory_space<hbm>> -> memref<50x128xf32, #tpu.memory_space<hbm>>
    %dma_start3A_144 = arith.constant 0 : i32
    %dma_start3A_145 = arith.constant 0 : i32
    %dma_start3A_146 = tpu.memref_slice %arg4[%add3A_139, %dma_start3A_144, %dma_start3A_145] : memref<4096x50x128xf32, #tpu.memory_space<hbm>> -> memref<1x50x128xf32, #tpu.memory_space<hbm>>
    %dma_start3A_147 = tpu.memref_squeeze %dma_start3A_146 : memref<1x50x128xf32, #tpu.memory_space<hbm>> -> memref<50x128xf32, #tpu.memory_space<hbm>>
    tpu.enqueue_dma source(%arg8 : memref<50x128xf32, #tpu.memory_space<vmem>>) target(%dma_start3A_147 : memref<50x128xf32, #tpu.memory_space<hbm>>) target_semaphore(%arg15 : memref<!tpu.dma_semaphore, #tpu.memory_space<semaphore_mem>>)
    %add3A_148 = arith.constant 123 : i32
    %add3A_149 = arith.addi %mul3A_2, %add3A_148 : i32
    %dma_start3A_150 = arith.constant 0 : i32
    %dma_start3A_151 = arith.constant 0 : i32
    %dma_start3A_152 = tpu.memref_slice %arg4[%add3A_149, %dma_start3A_150, %dma_start3A_151] : memref<4096x50x128xf32, #tpu.memory_space<hbm>> -> memref<1x50x128xf32, #tpu.memory_space<hbm>>
    %dma_start3A_153 = tpu.memref_squeeze %dma_start3A_152 : memref<1x50x128xf32, #tpu.memory_space<hbm>> -> memref<50x128xf32, #tpu.memory_space<hbm>>
    %dma_start3A_154 = arith.constant 0 : i32
    %dma_start3A_155 = arith.constant 0 : i32
    %dma_start3A_156 = tpu.memref_slice %arg4[%add3A_149, %dma_start3A_154, %dma_start3A_155] : memref<4096x50x128xf32, #tpu.memory_space<hbm>> -> memref<1x50x128xf32, #tpu.memory_space<hbm>>
    %dma_start3A_157 = tpu.memref_squeeze %dma_start3A_156 : memref<1x50x128xf32, #tpu.memory_space<hbm>> -> memref<50x128xf32, #tpu.memory_space<hbm>>
    tpu.enqueue_dma source(%arg9 : memref<50x128xf32, #tpu.memory_space<vmem>>) target(%dma_start3A_157 : memref<50x128xf32, #tpu.memory_space<hbm>>) target_semaphore(%arg15 : memref<!tpu.dma_semaphore, #tpu.memory_space<semaphore_mem>>)
    %add3A_158 = arith.constant 124 : i32
    %add3A_159 = arith.addi %mul3A_2, %add3A_158 : i32
    %dma_start3A_160 = arith.constant 0 : i32
    %dma_start3A_161 = arith.constant 0 : i32
    %dma_start3A_162 = tpu.memref_slice %arg4[%add3A_159, %dma_start3A_160, %dma_start3A_161] : memref<4096x50x128xf32, #tpu.memory_space<hbm>> -> memref<1x50x128xf32, #tpu.memory_space<hbm>>
    %dma_start3A_163 = tpu.memref_squeeze %dma_start3A_162 : memref<1x50x128xf32, #tpu.memory_space<hbm>> -> memref<50x128xf32, #tpu.memory_space<hbm>>
    %dma_start3A_164 = arith.constant 0 : i32
    %dma_start3A_165 = arith.constant 0 : i32
    %dma_start3A_166 = tpu.memref_slice %arg4[%add3A_159, %dma_start3A_164, %dma_start3A_165] : memref<4096x50x128xf32, #tpu.memory_space<hbm>> -> memref<1x50x128xf32, #tpu.memory_space<hbm>>
    %dma_start3A_167 = tpu.memref_squeeze %dma_start3A_166 : memref<1x50x128xf32, #tpu.memory_space<hbm>> -> memref<50x128xf32, #tpu.memory_space<hbm>>
    tpu.enqueue_dma source(%arg10 : memref<50x128xf32, #tpu.memory_space<vmem>>) target(%dma_start3A_167 : memref<50x128xf32, #tpu.memory_space<hbm>>) target_semaphore(%arg15 : memref<!tpu.dma_semaphore, #tpu.memory_space<semaphore_mem>>)
    %add3A_168 = arith.constant 125 : i32
    %add3A_169 = arith.addi %mul3A_2, %add3A_168 : i32
    %dma_start3A_170 = arith.constant 0 : i32
    %dma_start3A_171 = arith.constant 0 : i32
    %dma_start3A_172 = tpu.memref_slice %arg4[%add3A_169, %dma_start3A_170, %dma_start3A_171] : memref<4096x50x128xf32, #tpu.memory_space<hbm>> -> memref<1x50x128xf32, #tpu.memory_space<hbm>>
    %dma_start3A_173 = tpu.memref_squeeze %dma_start3A_172 : memref<1x50x128xf32, #tpu.memory_space<hbm>> -> memref<50x128xf32, #tpu.memory_space<hbm>>
    %dma_start3A_174 = arith.constant 0 : i32
    %dma_start3A_175 = arith.constant 0 : i32
    %dma_start3A_176 = tpu.memref_slice %arg4[%add3A_169, %dma_start3A_174, %dma_start3A_175] : memref<4096x50x128xf32, #tpu.memory_space<hbm>> -> memref<1x50x128xf32, #tpu.memory_space<hbm>>
    %dma_start3A_177 = tpu.memref_squeeze %dma_start3A_176 : memref<1x50x128xf32, #tpu.memory_space<hbm>> -> memref<50x128xf32, #tpu.memory_space<hbm>>
    tpu.enqueue_dma source(%arg11 : memref<50x128xf32, #tpu.memory_space<vmem>>) target(%dma_start3A_177 : memref<50x128xf32, #tpu.memory_space<hbm>>) target_semaphore(%arg15 : memref<!tpu.dma_semaphore, #tpu.memory_space<semaphore_mem>>)
    %add3A_178 = arith.constant 126 : i32
    %add3A_179 = arith.addi %mul3A_2, %add3A_178 : i32
    %dma_start3A_180 = arith.constant 0 : i32
    %dma_start3A_181 = arith.constant 0 : i32
    %dma_start3A_182 = tpu.memref_slice %arg4[%add3A_179, %dma_start3A_180, %dma_start3A_181] : memref<4096x50x128xf32, #tpu.memory_space<hbm>> -> memref<1x50x128xf32, #tpu.memory_space<hbm>>
    %dma_start3A_183 = tpu.memref_squeeze %dma_start3A_182 : memref<1x50x128xf32, #tpu.memory_space<hbm>> -> memref<50x128xf32, #tpu.memory_space<hbm>>
    %dma_start3A_184 = arith.constant 0 : i32
    %dma_start3A_185 = arith.constant 0 : i32
    %dma_start3A_186 = tpu.memref_slice %arg4[%add3A_179, %dma_start3A_184, %dma_start3A_185] : memref<4096x50x128xf32, #tpu.memory_space<hbm>> -> memref<1x50x128xf32, #tpu.memory_space<hbm>>
    %dma_start3A_187 = tpu.memref_squeeze %dma_start3A_186 : memref<1x50x128xf32, #tpu.memory_space<hbm>> -> memref<50x128xf32, #tpu.memory_space<hbm>>
    tpu.enqueue_dma source(%arg12 : memref<50x128xf32, #tpu.memory_space<vmem>>) target(%dma_start3A_187 : memref<50x128xf32, #tpu.memory_space<hbm>>) target_semaphore(%arg15 : memref<!tpu.dma_semaphore, #tpu.memory_space<semaphore_mem>>)
    %add3A_188 = arith.constant 127 : i32
    %add3A_189 = arith.addi %mul3A_2, %add3A_188 : i32
    %dma_start3A_190 = arith.constant 0 : i32
    %dma_start3A_191 = arith.constant 0 : i32
    %dma_start3A_192 = tpu.memref_slice %arg4[%add3A_189, %dma_start3A_190, %dma_start3A_191] : memref<4096x50x128xf32, #tpu.memory_space<hbm>> -> memref<1x50x128xf32, #tpu.memory_space<hbm>>
    %dma_start3A_193 = tpu.memref_squeeze %dma_start3A_192 : memref<1x50x128xf32, #tpu.memory_space<hbm>> -> memref<50x128xf32, #tpu.memory_space<hbm>>
    %dma_start3A_194 = arith.constant 0 : i32
    %dma_start3A_195 = arith.constant 0 : i32
    %dma_start3A_196 = tpu.memref_slice %arg4[%add3A_189, %dma_start3A_194, %dma_start3A_195] : memref<4096x50x128xf32, #tpu.memory_space<hbm>> -> memref<1x50x128xf32, #tpu.memory_space<hbm>>
    %dma_start3A_197 = tpu.memref_squeeze %dma_start3A_196 : memref<1x50x128xf32, #tpu.memory_space<hbm>> -> memref<50x128xf32, #tpu.memory_space<hbm>>
    tpu.enqueue_dma source(%arg13 : memref<50x128xf32, #tpu.memory_space<vmem>>) target(%dma_start3A_197 : memref<50x128xf32, #tpu.memory_space<hbm>>) target_semaphore(%arg15 : memref<!tpu.dma_semaphore, #tpu.memory_space<semaphore_mem>>)
    %add3A_198 = arith.constant 120 : i32
    %add3A_199 = arith.addi %mul3A_2, %add3A_198 : i32
    %dma_wait3A_200 = arith.constant 0 : i32
    %dma_wait3A_201 = arith.constant 0 : i32
    %dma_wait3A_202 = tpu.memref_slice %arg4[%add3A_199, %dma_wait3A_200, %dma_wait3A_201] : memref<4096x50x128xf32, #tpu.memory_space<hbm>> -> memref<1x50x128xf32, #tpu.memory_space<hbm>>
    %dma_wait3A_203 = tpu.memref_squeeze %dma_wait3A_202 : memref<1x50x128xf32, #tpu.memory_space<hbm>> -> memref<50x128xf32, #tpu.memory_space<hbm>>
    %dma_wait3A_204 = arith.constant 0 : i32
    %dma_wait3A_205 = arith.constant 0 : i32
    %dma_wait3A_206 = tpu.memref_slice %arg4[%add3A_199, %dma_wait3A_204, %dma_wait3A_205] : memref<4096x50x128xf32, #tpu.memory_space<hbm>> -> memref<1x50x128xf32, #tpu.memory_space<hbm>>
    %dma_wait3A_207 = tpu.memref_squeeze %dma_wait3A_206 : memref<1x50x128xf32, #tpu.memory_space<hbm>> -> memref<50x128xf32, #tpu.memory_space<hbm>>
    tpu.wait_dma2 semaphore(%arg15 : memref<!tpu.dma_semaphore, #tpu.memory_space<semaphore_mem>>) src(%arg6 : memref<50x128xf32, #tpu.memory_space<vmem>>) dst(%dma_wait3A_207 : memref<50x128xf32, #tpu.memory_space<hbm>>)
    %add3A_208 = arith.constant 121 : i32
    %add3A_209 = arith.addi %mul3A_2, %add3A_208 : i32
    %dma_wait3A_210 = arith.constant 0 : i32
    %dma_wait3A_211 = arith.constant 0 : i32
    %dma_wait3A_212 = tpu.memref_slice %arg4[%add3A_209, %dma_wait3A_210, %dma_wait3A_211] : memref<4096x50x128xf32, #tpu.memory_space<hbm>> -> memref<1x50x128xf32, #tpu.memory_space<hbm>>
    %dma_wait3A_213 = tpu.memref_squeeze %dma_wait3A_212 : memref<1x50x128xf32, #tpu.memory_space<hbm>> -> memref<50x128xf32, #tpu.memory_space<hbm>>
    %dma_wait3A_214 = arith.constant 0 : i32
    %dma_wait3A_215 = arith.constant 0 : i32
    %dma_wait3A_216 = tpu.memref_slice %arg4[%add3A_209, %dma_wait3A_214, %dma_wait3A_215] : memref<4096x50x128xf32, #tpu.memory_space<hbm>> -> memref<1x50x128xf32, #tpu.memory_space<hbm>>
    %dma_wait3A_217 = tpu.memref_squeeze %dma_wait3A_216 : memref<1x50x128xf32, #tpu.memory_space<hbm>> -> memref<50x128xf32, #tpu.memory_space<hbm>>
    tpu.wait_dma2 semaphore(%arg15 : memref<!tpu.dma_semaphore, #tpu.memory_space<semaphore_mem>>) src(%arg7 : memref<50x128xf32, #tpu.memory_space<vmem>>) dst(%dma_wait3A_217 : memref<50x128xf32, #tpu.memory_space<hbm>>)
    %add3A_218 = arith.constant 122 : i32
    %add3A_219 = arith.addi %mul3A_2, %add3A_218 : i32
    %dma_wait3A_220 = arith.constant 0 : i32
    %dma_wait3A_221 = arith.constant 0 : i32
    %dma_wait3A_222 = tpu.memref_slice %arg4[%add3A_219, %dma_wait3A_220, %dma_wait3A_221] : memref<4096x50x128xf32, #tpu.memory_space<hbm>> -> memref<1x50x128xf32, #tpu.memory_space<hbm>>
    %dma_wait3A_223 = tpu.memref_squeeze %dma_wait3A_222 : memref<1x50x128xf32, #tpu.memory_space<hbm>> -> memref<50x128xf32, #tpu.memory_space<hbm>>
    %dma_wait3A_224 = arith.constant 0 : i32
    %dma_wait3A_225 = arith.constant 0 : i32
    %dma_wait3A_226 = tpu.memref_slice %arg4[%add3A_219, %dma_wait3A_224, %dma_wait3A_225] : memref<4096x50x128xf32, #tpu.memory_space<hbm>> -> memref<1x50x128xf32, #tpu.memory_space<hbm>>
    %dma_wait3A_227 = tpu.memref_squeeze %dma_wait3A_226 : memref<1x50x128xf32, #tpu.memory_space<hbm>> -> memref<50x128xf32, #tpu.memory_space<hbm>>
    tpu.wait_dma2 semaphore(%arg15 : memref<!tpu.dma_semaphore, #tpu.memory_space<semaphore_mem>>) src(%arg8 : memref<50x128xf32, #tpu.memory_space<vmem>>) dst(%dma_wait3A_227 : memref<50x128xf32, #tpu.memory_space<hbm>>)
    %add3A_228 = arith.constant 123 : i32
    %add3A_229 = arith.addi %mul3A_2, %add3A_228 : i32
    %dma_wait3A_230 = arith.constant 0 : i32
    %dma_wait3A_231 = arith.constant 0 : i32
    %dma_wait3A_232 = tpu.memref_slice %arg4[%add3A_229, %dma_wait3A_230, %dma_wait3A_231] : memref<4096x50x128xf32, #tpu.memory_space<hbm>> -> memref<1x50x128xf32, #tpu.memory_space<hbm>>
    %dma_wait3A_233 = tpu.memref_squeeze %dma_wait3A_232 : memref<1x50x128xf32, #tpu.memory_space<hbm>> -> memref<50x128xf32, #tpu.memory_space<hbm>>
    %dma_wait3A_234 = arith.constant 0 : i32
    %dma_wait3A_235 = arith.constant 0 : i32
    %dma_wait3A_236 = tpu.memref_slice %arg4[%add3A_229, %dma_wait3A_234, %dma_wait3A_235] : memref<4096x50x128xf32, #tpu.memory_space<hbm>> -> memref<1x50x128xf32, #tpu.memory_space<hbm>>
    %dma_wait3A_237 = tpu.memref_squeeze %dma_wait3A_236 : memref<1x50x128xf32, #tpu.memory_space<hbm>> -> memref<50x128xf32, #tpu.memory_space<hbm>>
    tpu.wait_dma2 semaphore(%arg15 : memref<!tpu.dma_semaphore, #tpu.memory_space<semaphore_mem>>) src(%arg9 : memref<50x128xf32, #tpu.memory_space<vmem>>) dst(%dma_wait3A_237 : memref<50x128xf32, #tpu.memory_space<hbm>>)
    %add3A_238 = arith.constant 124 : i32
    %add3A_239 = arith.addi %mul3A_2, %add3A_238 : i32
    %dma_wait3A_240 = arith.constant 0 : i32
    %dma_wait3A_241 = arith.constant 0 : i32
    %dma_wait3A_242 = tpu.memref_slice %arg4[%add3A_239, %dma_wait3A_240, %dma_wait3A_241] : memref<4096x50x128xf32, #tpu.memory_space<hbm>> -> memref<1x50x128xf32, #tpu.memory_space<hbm>>
    %dma_wait3A_243 = tpu.memref_squeeze %dma_wait3A_242 : memref<1x50x128xf32, #tpu.memory_space<hbm>> -> memref<50x128xf32, #tpu.memory_space<hbm>>
    %dma_wait3A_244 = arith.constant 0 : i32
    %dma_wait3A_245 = arith.constant 0 : i32
    %dma_wait3A_246 = tpu.memref_slice %arg4[%add3A_239, %dma_wait3A_244, %dma_wait3A_245] : memref<4096x50x128xf32, #tpu.memory_space<hbm>> -> memref<1x50x128xf32, #tpu.memory_space<hbm>>
    %dma_wait3A_247 = tpu.memref_squeeze %dma_wait3A_246 : memref<1x50x128xf32, #tpu.memory_space<hbm>> -> memref<50x128xf32, #tpu.memory_space<hbm>>
    tpu.wait_dma2 semaphore(%arg15 : memref<!tpu.dma_semaphore, #tpu.memory_space<semaphore_mem>>) src(%arg10 : memref<50x128xf32, #tpu.memory_space<vmem>>) dst(%dma_wait3A_247 : memref<50x128xf32, #tpu.memory_space<hbm>>)
    %add3A_248 = arith.constant 125 : i32
    %add3A_249 = arith.addi %mul3A_2, %add3A_248 : i32
    %dma_wait3A_250 = arith.constant 0 : i32
    %dma_wait3A_251 = arith.constant 0 : i32
    %dma_wait3A_252 = tpu.memref_slice %arg4[%add3A_249, %dma_wait3A_250, %dma_wait3A_251] : memref<4096x50x128xf32, #tpu.memory_space<hbm>> -> memref<1x50x128xf32, #tpu.memory_space<hbm>>
    %dma_wait3A_253 = tpu.memref_squeeze %dma_wait3A_252 : memref<1x50x128xf32, #tpu.memory_space<hbm>> -> memref<50x128xf32, #tpu.memory_space<hbm>>
    %dma_wait3A_254 = arith.constant 0 : i32
    %dma_wait3A_255 = arith.constant 0 : i32
    %dma_wait3A_256 = tpu.memref_slice %arg4[%add3A_249, %dma_wait3A_254, %dma_wait3A_255] : memref<4096x50x128xf32, #tpu.memory_space<hbm>> -> memref<1x50x128xf32, #tpu.memory_space<hbm>>
    %dma_wait3A_257 = tpu.memref_squeeze %dma_wait3A_256 : memref<1x50x128xf32, #tpu.memory_space<hbm>> -> memref<50x128xf32, #tpu.memory_space<hbm>>
    tpu.wait_dma2 semaphore(%arg15 : memref<!tpu.dma_semaphore, #tpu.memory_space<semaphore_mem>>) src(%arg11 : memref<50x128xf32, #tpu.memory_space<vmem>>) dst(%dma_wait3A_257 : memref<50x128xf32, #tpu.memory_space<hbm>>)
    %add3A_258 = arith.constant 126 : i32
    %add3A_259 = arith.addi %mul3A_2, %add3A_258 : i32
    %dma_wait3A_260 = arith.constant 0 : i32
    %dma_wait3A_261 = arith.constant 0 : i32
    %dma_wait3A_262 = tpu.memref_slice %arg4[%add3A_259, %dma_wait3A_260, %dma_wait3A_261] : memref<4096x50x128xf32, #tpu.memory_space<hbm>> -> memref<1x50x128xf32, #tpu.memory_space<hbm>>
    %dma_wait3A_263 = tpu.memref_squeeze %dma_wait3A_262 : memref<1x50x128xf32, #tpu.memory_space<hbm>> -> memref<50x128xf32, #tpu.memory_space<hbm>>
    %dma_wait3A_264 = arith.constant 0 : i32
    %dma_wait3A_265 = arith.constant 0 : i32
    %dma_wait3A_266 = tpu.memref_slice %arg4[%add3A_259, %dma_wait3A_264, %dma_wait3A_265] : memref<4096x50x128xf32, #tpu.memory_space<hbm>> -> memref<1x50x128xf32, #tpu.memory_space<hbm>>
    %dma_wait3A_267 = tpu.memref_squeeze %dma_wait3A_266 : memref<1x50x128xf32, #tpu.memory_space<hbm>> -> memref<50x128xf32, #tpu.memory_space<hbm>>
    tpu.wait_dma2 semaphore(%arg15 : memref<!tpu.dma_semaphore, #tpu.memory_space<semaphore_mem>>) src(%arg12 : memref<50x128xf32, #tpu.memory_space<vmem>>) dst(%dma_wait3A_267 : memref<50x128xf32, #tpu.memory_space<hbm>>)
    %add3A_268 = arith.constant 127 : i32
    %add3A_269 = arith.addi %mul3A_2, %add3A_268 : i32
    %dma_wait3A_270 = arith.constant 0 : i32
    %dma_wait3A_271 = arith.constant 0 : i32
    %dma_wait3A_272 = tpu.memref_slice %arg4[%add3A_269, %dma_wait3A_270, %dma_wait3A_271] : memref<4096x50x128xf32, #tpu.memory_space<hbm>> -> memref<1x50x128xf32, #tpu.memory_space<hbm>>
    %dma_wait3A_273 = tpu.memref_squeeze %dma_wait3A_272 : memref<1x50x128xf32, #tpu.memory_space<hbm>> -> memref<50x128xf32, #tpu.memory_space<hbm>>
    %dma_wait3A_274 = arith.constant 0 : i32
    %dma_wait3A_275 = arith.constant 0 : i32
    %dma_wait3A_276 = tpu.memref_slice %arg4[%add3A_269, %dma_wait3A_274, %dma_wait3A_275] : memref<4096x50x128xf32, #tpu.memory_space<hbm>> -> memref<1x50x128xf32, #tpu.memory_space<hbm>>
    %dma_wait3A_277 = tpu.memref_squeeze %dma_wait3A_276 : memref<1x50x128xf32, #tpu.memory_space<hbm>> -> memref<50x128xf32, #tpu.memory_space<hbm>>
    tpu.wait_dma2 semaphore(%arg15 : memref<!tpu.dma_semaphore, #tpu.memory_space<semaphore_mem>>) src(%arg13 : memref<50x128xf32, #tpu.memory_space<vmem>>) dst(%dma_wait3A_277 : memref<50x128xf32, #tpu.memory_space<hbm>>)
    return
  }
}

</mosaic_0001>

<sc_bundles>
// kernel: kernel.3.cloned.1.call-start
scs
__scs_entry_jumppad:
0x0: {  	(pc) =	sbr.rel $0x88, $3  }
0x1: {  	(tag) =	ssettag $0x0;
	lr =	simm.s32 $0x1  }
0x2: {  	[smem:$0x3F9F] =	sst lr;
	_ =	strace $0xD0000000  }
0x3: {  	_ = 	snop  }
0x4: {  	_ = 	snop  }
0x5: {  	_ = 	snop  }
0x6: {  	_ = 	snop  }
0x7: {  	_ = 	snop  }
__scs_overlays_trampoline_lowered:
0x8: {  	[smem:$0x3FAE] =	sst s0  }
0x9: {  	[smem:$0x3FAF] =	sst s1  }
0xa: {  	[smem:$0x3FB0] =	sst s2  }
0xb: {  	[smem:$0x3FB1] =	sst s3  }
0xc: {  	[smem:$0x3FB2] =	sst s4  }
0xd: {  	[smem:$0x3FB3] =	sst s5  }
0xe: {  	[smem:$0x3FB4] =	sst s6  }
0xf: {  	[smem:$0x3FB5] =	sst s7  }
0x10: {  	[smem:$0x3FB6] =	sst s8  }
0x11: {  	[smem:$0x3FB7] =	sst s9;
	s0 =	simm.s32 @!p0 $0x0  }
0x12: {  	s1 =	sld [smem:$0x3F9D];
	s0 =	simm.s32 @p0 $0x1  }
0x13: {  	[smem:$0x3FB8] =	sst s0;
	s0 =	simm.s32 @!p1 $0x0  }
0x14: {  	s2 =	sld [smem:$0x3F9C];
	s0 =	simm.s32 @p1 $0x1  }
0x15: {  	[smem:$0x3FB9] =	sst s0;
	s0 =	simm.s32 @!p2 $0x0  }
0x16: {  	s3 =	sld [smem:$0x3FDB];
	s0 =	simm.s32 @p2 $0x1  }
0x17: {  	s4 =	simm.s32 $0x1BF5;
	[smem:$0x3FBB] =	sst s0  }
0x18: {  	s0 =	sld [smem:$0x3F9E];
	_ =	swait.ge [sflag:s4], $0x0  }
0x19: {  	s7 =	sld [smem:$0x3F9F]  }
0x1a: {  	s8 =	sadd.s32 $0xFFFFE003, lr  }
0x1b: {  	s9 =	sadd.s32 $0xFFFFFEF7, lr;
	s5 =	simm.s32 $0xFFFFFFFF;
	p2 =	slt.u32 s8, $0xFFFFF086  }
0x1c: {  	p1 =	slt.u32 s9, $0xF7A;
	s5 =	simm.s32 @!p2 $0x0  }
0x1d: {  	s5 =	simm.s32 @p1 $0x1;
	p0 =	seq.s32 s7, s2  }
0x1e: {  	s7 =	smul.u32 @!p0 $0xF7A, s2;
	p2 =	seq.s32 @!p0 s5, $0x0  }
0x1f: {  	s9 =	smul.u32 $0xF7A, s1;
	s8 =	simm.s32 @!p0 $0x1BF5;
	p2 =	por !p2, p0  }
0x20: {  	[sflag:s8] =	ssyncset.s32 @!p0 $0xFFFFF086;
	s6 =	sadd.s32 @!p0 s3, s7;
	s7 =	simm.s32 @!p0 $0x108  }
0x21: {  	s3 =	sadd.s32 s3, s9;
	s6 =	sadd.s32 @!p0 $0x88, s6;
	s7 =	simm.s32 @p2 $0x1082  }
0x22: {  	[simem:s7], [sflag:s8] =	dma.local @!p0 [hbm:s6], $0xF7A  }
0x23: {  	s9 =	sor.u32 $0xD0000000, s2;
	s6 =	simm.s32 $0x108;
	_ =	swait.ge @!p0 [sflag:s8], $0x0  }
0x24: {  	s3 =	sadd.s32 $0x88, s3;
	s6 =	simm.s32 @!p1 $0x1082;
	[sflag:s4] =	ssyncset.s32 $0xFFFFF086  }
0x25: {  	[simem:s6], [sflag:s4] =	dma.local [hbm:s3], $0xF7A  }
0x26: {  	[smem:$0x3F9F] =	sst s1;
	(tag) =	ssettag s2;
	_ =	strace s9  }
0x27: {  	s1 =	sld [smem:$0x3FAF]  }
0x28: {  	s2 =	sld [smem:$0x3FB0]  }
0x29: {  	s4 =	sld [smem:$0x3FB2]  }
0x2a: {  	p0 =	seq.s32 s5, $0x0;
	s5 =	sld [smem:$0x3FB3]  }
0x2b: {  	s6 =	sld [smem:$0x3FB4]  }
0x2c: {  	s7 =	sld [smem:$0x3FB5]  }
0x2d: {  	s3 =	simm.s32 $0x108;
	s8 =	sld [smem:$0x3FB6]  }
0x2e: {  	s3 =	simm.s32 @!p0 $0x1082;
	s9 =	sld [smem:$0x3FB7]  }
0x2f: {  	lr =	sadd.s32 s0, s3;
	s0 =	sld [smem:$0x3FAE]  }
0x30: {  	s3 =	sld [smem:$0x3FB1]  }
0x31: {  	[smem:$0x3FBA] =	sst s10  }
0x32: {  	s10 =	sld [smem:$0x3FB8];
	_ =	sdelay $0x3  }
0x33: {  	p0 =	seq.s32 s10, $0x1;
	s10 =	sld [smem:$0x3FBA];
	_ =	sdelay $0x3  }
0x34: {  	[smem:$0x3FBA] =	sst s10  }
0x35: {  	s10 =	sld [smem:$0x3FB9];
	_ =	sdelay $0x3  }
0x36: {  	p1 =	seq.s32 s10, $0x1;
	s10 =	sld [smem:$0x3FBA];
	_ =	sdelay $0x3  }
0x37: {  	[smem:$0x3FBA] =	sst s10  }
0x38: {  	s10 =	sld [smem:$0x3FBB]  }
0x39: {  	_ = 	snop;
	(pc) =	sbr.ind lr, $3  }
0x3a: {  	_ = 	snop  }
0x3b: {  	_ = 	snop  }
0x3c: {  	p2 =	seq.s32 s10, $0x1;
	s10 =	sld [smem:$0x3FBA]  }
0x3d: {  	_ =	shalt  }
0x3e: {  	_ =	shalt  }
0x3f: {  	_ =	shalt  }
0x40: {  	_ =	shalt  }
0x41: {  	_ =	shalt  }
0x42: {  	_ =	shalt  }
0x43: {  	_ =	shalt  }
0x44: {  	_ =	shalt  }
0x45: {  	_ =	shalt  }
0x46: {  	_ =	shalt  }
0x47: {  	_ =	shalt  }
0x48: {  	_ =	shalt  }
0x49: {  	_ =	shalt  }
0x4a: {  	_ =	shalt  }
0x4b: {  	_ =	shalt  }
0x4c: {  	_ =	shalt  }
0x4d: {  	_ =	shalt  }
0x4e: {  	_ =	shalt  }
0x4f: {  	_ =	shalt  }
0x50: {  	_ =	shalt  }
0x51: {  	_ =	shalt  }
0x52: {  	_ =	shalt  }
0x53: {  	_ =	shalt  }
0x54: {  	_ =	shalt  }
0x55: {  	_ =	shalt  }
0x56: {  	_ =	shalt  }
0x57: {  	_ =	shalt  }
0x58: {  	_ =	shalt  }
0x59: {  	_ =	shalt  }
0x5a: {  	_ =	shalt  }
0x5b: {  	_ =	shalt  }
0x5c: {  	_ =	shalt  }
0x5d: {  	_ =	shalt  }
0x5e: {  	_ =	shalt  }
0x5f: {  	_ =	shalt  }
0x60: {  	_ =	shalt  }
0x61: {  	_ =	shalt  }
0x62: {  	_ =	shalt  }
0x63: {  	_ =	shalt  }
0x64: {  	_ =	shalt  }
0x65: {  	_ =	shalt  }
0x66: {  	_ =	shalt  }
0x67: {  	_ =	shalt  }
0x68: {  	_ =	shalt  }
0x69: {  	_ =	shalt  }
0x6a: {  	_ =	shalt  }
0x6b: {  	_ =	shalt  }
0x6c: {  	_ =	shalt  }
0x6d: {  	_ =	shalt  }
0x6e: {  	_ =	shalt  }
0x6f: {  	_ =	shalt  }
0x70: {  	_ =	shalt  }
0x71: {  	_ =	shalt  }
0x72: {  	_ =	shalt  }
0x73: {  	_ =	shalt  }
0x74: {  	_ =	shalt  }
0x75: {  	_ =	shalt  }
0x76: {  	_ =	shalt  }
0x77: {  	_ =	shalt  }
0x78: {  	_ =	shalt  }
0x79: {  	_ =	shalt  }
0x7a: {  	_ =	shalt  }
0x7b: {  	_ =	shalt  }
0x7c: {  	_ =	shalt  }
0x7d: {  	_ =	shalt  }
0x7e: {  	_ =	shalt  }
0x7f: {  	_ =	shalt  }
0x80: {  	_ =	shalt  }
0x81: {  	_ =	shalt  }
0x82: {  	_ =	shalt  }
0x83: {  	_ =	shalt  }
0x84: {  	_ =	shalt  }
0x85: {  	_ =	shalt  }
0x86: {  	_ =	shalt  }
0x87: {  	_ =	shalt  }
.Lfunc_end0:
.L_simem_size_0:
called_computation_lowered:
.L_overlay_start_0:
0x88: {  	s2 =	sld [smem:$0x3FD9]  }
0x89: {  	s3 =	sld [smem:$0x3FFE];
	_ =	sdelay $0x1  }
0x8a: {  	s1 =	srdreg.scid  }
0x8b: {  	s0 =	sand.u32 $0x1, s1  }
0x8c: {  	s17 =	sshll.u32 s0, $0xA;
	s2 =	sadd.s32 s3, s2  }
0x8d: {  	s2 =	sadd.s32 s2, s17  }
0x8e: {  	[smem:$0x3FC6] =	sst s2  }
0x8f: {  	_ = 	snop  }
0x90: {  	s2 =	sld [smem:$0x3FC8]  }
0x91: {  	s18 =	sld [smem:$0x3FD0];
	(tm) =	ssettm $0x1  }
0x92: {  	s4 =	sld [smem:$0x3FFB];
	_ =	sdelay $0x3  }
0x93: {  	_ =	strace s4  }
0x94: {  	s4 =	sld [smem:$0x3FFC];
	_ =	sdelay $0x3  }
0x95: {  	_ =	strace s4  }
0x96: {  	s4 =	sld [smem:$0x3FFD];
	_ =	sdelay $0x3  }
0x97: {  	_ =	strace s4  }
0x98: {  	_ =	strace $0x8FFFFFFF  }
0x99: {  	s19 =	sld [smem:$0x3FDB];
	_ =	sdelay $0x1  }
0x9a: {  	s5 =	simm.s32 $_scs_section_size  }
0x9b: {  	s6 =	simm.s32 $_size__tile_overlayer_lowered;
	s7 =	simm.s32 $_tile_overlayer_lowered  }
0x9c: {  	s22 =	simm.s32 $0x1BFF;
	s21 =	sshll.u32 s7, $0x1;
	s4 =	sadd.s32 s5, s19  }
0x9d: {  	s8 =	simm.s32 $0x0;
	s20 =	sshll.u32 s6, $0x1;
	s6 =	sadd.s32 s21, s4  }
0x9e: {  	[timem:s8], [sflag:s22] =	dma.local [hbm:s6], s20  }
0x9f: {  	_ =	swait.ge [sflag:s22], s20  }
0xa0: {  	s5 =	ssub.s32 $0x0, s20;
	[sflag:s22] =	ssyncset.done $0x0  }
0xa1: {  	[sflag:s22] =	ssyncadd.s32 s5;
	_ =	sdelay $0x1  }
0xa2: {  	s23 =	simm.s32 $0x1B8B  }
0xa3: {  	_ =	swait.ge [sflag:s23], $0x1  }
0xa4: {  	[sflag:s23] =	ssyncset.done $0x0  }
0xa5: {  	s25 =	simm.s32 $0x1B8E;
	s24 =	sld [smem:$0x3FFE];
	[sflag:s23] =	ssyncadd.s32 $0xFFFFFFFF  }
0xa6: {  	s26 =	simm.s32 $execute0_lowered;
	[smem:$0x3FD2] =	sst s25  }
0xa7: {  	s6 =	sshll.u32 s26, $0x1;
	_ =	strace $0x80000046;
	[dreg:$0x1] =	wrdreg $0xFFFFFFFF  }
0xa8: {  	s28 =	simm.s32 $_size_execute0_lowered;
	s4 =	sadd.s32 s4, s6;
	[dreg:$0x0] =	wrdreg $0x0  }
0xa9: {  	s6 =	sshll.u32 s28, $0x1;
	[dreg:$0x2] =	wrdreg s4  }
0xaa: {  	[dreg:$0x3] =	wrdreg s6  }
0xab: {  	[dreg:$0x4] =	wrdreg $0xC0  }
0xac: {  	_ =	task [dreg:s8], $0x5FFFF  }
0xad: {  	[dreg:$0x1] =	wrdreg $0xFFFFFFFF  }
0xae: {  	[dreg:$0x0] =	wrdreg $0x60  }
0xaf: {  	[dreg:$0x2] =	wrdreg s18  }
0xb0: {  	[dreg:$0x3] =	wrdreg s2  }
0xb1: {  	[dreg:$0x4] =	wrdreg s24  }
0xb2: {  	[dreg:$0x5] =	wrdreg $0x9  }
0xb3: {  	_ =	task.clear_ibuf [dreg:s8], $0x6FFFF;
	_ =	strace $0x90000046  }
0xb4: {  	s29 =	simm.s32 $0x9;
	_ =	strace $0x80000048  }
0xb5: {  	_ =	swait.ge [sflag:s29], $0x1  }
0xb6: {  	[sflag:s29] =	ssyncadd.s32 $0xFFFFFFFF  }
0xb7: {  	_ =	strace $0x90000048  }
0xb8: {  	_ =	sfence  }
0xb9: {  	s30 =	sld [smem:$0x0];
	_ =	sdelay $0x2  }
0xba: {  	s31 =	sshll.u32 s1, $0xD;
	s1 =	sshrl.u32 s1, $0x2  }
0xbb: {  	s3 =	sand.u32 $0x4000, s31;
	s1 =	sadd.s32 s1, s30  }
0xbc: {  	s0 =	sor.u32 s3, s0;
	s1 =	sshll.u32 s1, $0x11  }
0xbd: {  	s0 =	sor.u32 s1, s0  }
0xbe: {  	s0 =	sadd.s32 $0x8F2B, s0  }
0xbf: {  	[sflag:s0] =	ssyncadd.remote.s32 $0x1  }
0xc0: {  	_ =	sfence.sel $0xFFFF  }
0xc1: {  	[dreg:$0x0] =	wrdreg $0xFFFFFFFF;
	(pc) =	sbr.abs _section_cstart, $3  }
0xc2: {  	[dreg:$0x1] =	wrdreg $0xFFFFFFFF  }
0xc3: {  	_ =	task.clear_ibuf [dreg:s8], $0x2FFFF;
	_ =	strace $0x9FFFFFFF  }
0xc4: {  	(tm) =	ssettm $0x7FFFFFFF  }
0xc5: {  	_ =	shalt  }
tec
execute0_lowered:
.L_overlay_start_1:
0x0: {  	(tag) =	ssettag $0x1  }
0x1: {  	s0 =	rddreg [dreg:$0x0]  }
0x2: {  	s2 =	rddreg [dreg:$0x1];
	s1 =	srdreg.scid  }
0x3: {  	s10 =	stileid.u32;
	s4 =	rddreg [dreg:$0x2]  }
0x4: {  	s3 =	simm.s32 $0x0;
	s16 =	simm.s32 $0x32;
	s17 =	simm.s32 $0x4000  }
0x5: {  	s19 =	simm.s32 $0x5C00;
	s21 =	simm.s32 $0x7800;
	s23 =	simm.s32 $0x9400  }
0x6: {  	s28 =	simm.s32 $0xCC00;
	s30 =	simm.s32 $0xE800;
	s31 =	simm.s32 $0x380  }
0x7: {  	s18 =	simm.s32 $0x2;
	s20 =	simm.s32 $0x0;
	s1 =	sand.u32 $0x1, s1  }
0x8: {  	s5 =	sshll.u32 s10, $0x1;
	[smem:$0x7FF] =	sst s3;
	s15 =	smul.u32 $0x38000, s10  }
0x9: {  	s5 =	sor.u32 s1, s5;
	s25 =	ssub.s32 $0x2, s1;
	s1 =	smul.u32 $0x1C000, s1  }
0xa: {  	s14 =	sadd.s32 $0x400, s4;
	_ =	strace $0x80000047;
	s6 =	smul.u32 $0xE0000, s5  }
0xb: {  	s7 =	sshrl.u32 s25, $0x1;
	s5 =	sshll.u32 s5, $0xB;
	s29 =	sadd.s32 s15, s14  }
0xc: {  	s15 =	simm.s32 $0x3;
	s13 =	ssub.s32 s25, s7;
	s4 =	sadd.s32 s0, s5  }
0xd: {  	s25 =	simm.s32 $0xB000;
	s0 =	simm.s32 $0x1;
	s6 =	sshrl.u32 s6, $0x3  }
0xe: {  	s13 =	smax.u32 s13, $0x1;
	s26 =	sadd.s32 s14, s6;
	s14 =	sadd.s32 s1, s29  }
0xf: {  	s1 =	simm.s32 $0x10400;
	s5 =	sadd.s32 $0x1A400, s26;
	s6 =	sadd.s32 $0x1A780, s26  }
0x10: {  	s7 =	sadd.s32 $0x1AB00, s26;
	s8 =	sadd.s32 $0x1AE80, s26;
	s9 =	sadd.s32 $0x1B200, s26  }
0x11: {  	s10 =	sadd.s32 $0x1B580, s26;
	s11 =	sadd.s32 $0x1B900, s26;
	s12 =	sadd.s32 $0x1BC80, s26  }
.LBB2_1:
0x12: {  	[tilespmem:s3], [sflag:$0x3] =	stream.linear.gather [hbm4b:s4+s3], $0x4000, $0x38;
	[tilespmem:$0x12000] =	vst v63  }
0x13: {  	_ =	swait.ge [sflag:s15], $0x4000  }
0x14: {  	[sflag:s15] =	ssyncset.done $0x0  }
0x15: {  	[sflag:s15] =	ssyncadd.s32 $0xFFFFC000  }
0x16: {  	[tilespmem:s17], [sflag:$0x1] =	stream.indirect.gather [hbm4b:s2+s16], $0x80, s3, s16, $0xb8;
	[tilespmem:$0x12000] =	vst v63  }
0x17: {  	s22 =	simm.s32 $0x80  }
0x18: {  	[tilespmem:s19], [sflag:$0x1] =	stream.indirect.gather [hbm4b:s2+s16], $0x80, s22, s16, $0xb8;
	[tilespmem:$0x12000] =	vst v63  }
0x19: {  	s29 =	simm.s32 $0x100  }
0x1a: {  	[tilespmem:s21], [sflag:$0x1] =	stream.indirect.gather [hbm4b:s2+s16], $0x80, s29, s16, $0xb8;
	[tilespmem:$0x12000] =	vst v63  }
0x1b: {  	s24 =	simm.s32 $0x180  }
0x1c: {  	[tilespmem:s23], [sflag:$0x1] =	stream.indirect.gather [hbm4b:s2+s16], $0x80, s24, s16, $0xb8;
	[tilespmem:$0x12000] =	vst v63  }
0x1d: {  	s26 =	simm.s32 $0x200  }
0x1e: {  	[tilespmem:s25], [sflag:$0x1] =	stream.indirect.gather [hbm4b:s2+s16], $0x80, s26, s16, $0xb8;
	[tilespmem:$0x12000] =	vst v63  }
0x1f: {  	s29 =	simm.s32 $0x280  }
0x20: {  	[tilespmem:s28], [sflag:$0x1] =	stream.indirect.gather [hbm4b:s2+s16], $0x80, s29, s16, $0xb8;
	[tilespmem:$0x12000] =	vst v63  }
0x21: {  	s24 =	simm.s32 $0x300  }
0x22: {  	[tilespmem:s30], [sflag:$0x1] =	stream.indirect.gather [hbm4b:s2+s16], $0x80, s24, s16, $0xb8;
	[tilespmem:$0x12000] =	vst v63  }
0x23: {  	_ = 	snop  }
0x24: {  	[tilespmem:s1], [sflag:$0x1] =	stream.indirect.gather [hbm4b:s2+s16], $0x80, s31, s16, $0xb8;
	[tilespmem:$0x12000] =	vst v63  }
0x25: {  	_ =	swait.ge [sflag:s0], $0x1900  }
0x26: {  	[sflag:s0] =	ssyncset.done $0x0  }
0x27: {  	[sflag:s0] =	ssyncadd.s32 $0xFFFFE700  }
0x28: {  	_ =	swait.ge [sflag:s0], $0x1900  }
0x29: {  	[sflag:s0] =	ssyncset.done $0x0  }
0x2a: {  	[sflag:s0] =	ssyncadd.s32 $0xFFFFE700  }
0x2b: {  	_ =	swait.ge [sflag:s0], $0x1900  }
0x2c: {  	[sflag:s0] =	ssyncset.done $0x0  }
0x2d: {  	[sflag:s0] =	ssyncadd.s32 $0xFFFFE700  }
0x2e: {  	_ =	swait.ge [sflag:s0], $0x1900  }
0x2f: {  	[sflag:s0] =	ssyncset.done $0x0  }
0x30: {  	[sflag:s0] =	ssyncadd.s32 $0xFFFFE700  }
0x31: {  	_ =	swait.ge [sflag:s0], $0x1900  }
0x32: {  	[sflag:s0] =	ssyncset.done $0x0  }
0x33: {  	[sflag:s0] =	ssyncadd.s32 $0xFFFFE700  }
0x34: {  	_ =	swait.ge [sflag:s0], $0x1900  }
0x35: {  	[sflag:s0] =	ssyncset.done $0x0  }
0x36: {  	[sflag:s0] =	ssyncadd.s32 $0xFFFFE700  }
0x37: {  	_ =	swait.ge [sflag:s0], $0x1900  }
0x38: {  	[sflag:s0] =	ssyncset.done $0x0  }
0x39: {  	[sflag:s0] =	ssyncadd.s32 $0xFFFFE700  }
0x3a: {  	_ =	swait.ge [sflag:s0], $0x1900  }
0x3b: {  	[sflag:s0] =	ssyncset.done $0x0  }
0x3c: {  	[sflag:s0] =	ssyncadd.s32 $0xFFFFE700  }
0x3d: {  	[hbm4b:s14+s3] =	stream.linear.scatter [tilespmem:s17], [sflag:$0x2], $0x1900, $0x38;
	[tilespmem:$0x12000] =	vst v63  }
0x3e: {  	s26 =	sadd.s32 $0x380, s14  }
0x3f: {  	[hbm4b:s26+s3] =	stream.linear.scatter [tilespmem:s19], [sflag:$0x2], $0x1900, $0x38;
	[tilespmem:$0x12000] =	vst v63  }
0x40: {  	s29 =	sadd.s32 $0x700, s14  }
0x41: {  	[hbm4b:s29+s3] =	stream.linear.scatter [tilespmem:s21], [sflag:$0x2], $0x1900, $0x38;
	[tilespmem:$0x12000] =	vst v63  }
0x42: {  	s24 =	sadd.s32 $0xA80, s14  }
0x43: {  	[hbm4b:s24+s3] =	stream.linear.scatter [tilespmem:s23], [sflag:$0x2], $0x1900, $0x38;
	[tilespmem:$0x12000] =	vst v63  }
0x44: {  	s26 =	sadd.s32 $0xE00, s14  }
0x45: {  	[hbm4b:s26+s3] =	stream.linear.scatter [tilespmem:s25], [sflag:$0x2], $0x1900, $0x38;
	[tilespmem:$0x12000] =	vst v63  }
0x46: {  	s29 =	sadd.s32 $0x1180, s14  }
0x47: {  	[hbm4b:s29+s3] =	stream.linear.scatter [tilespmem:s28], [sflag:$0x2], $0x1900, $0x38;
	[tilespmem:$0x12000] =	vst v63  }
0x48: {  	s24 =	sadd.s32 $0x1500, s14  }
0x49: {  	[hbm4b:s24+s3] =	stream.linear.scatter [tilespmem:s30], [sflag:$0x2], $0x1900, $0x38;
	[tilespmem:$0x12000] =	vst v63  }
0x4a: {  	s26 =	sadd.s32 $0x1880, s14  }
0x4b: {  	[hbm4b:s26+s3] =	stream.linear.scatter [tilespmem:s1], [sflag:$0x2], $0x1900, $0x38;
	[tilespmem:$0x12000] =	vst v63  }
0x4c: {  	_ =	swait.ge [sflag:s18], $0x1900  }
0x4d: {  	[sflag:s18] =	ssyncset.done $0x0  }
0x4e: {  	[sflag:s18] =	ssyncadd.s32 $0xFFFFE700  }
0x4f: {  	_ =	swait.ge [sflag:s18], $0x1900  }
0x50: {  	[sflag:s18] =	ssyncset.done $0x0  }
0x51: {  	[sflag:s18] =	ssyncadd.s32 $0xFFFFE700  }
0x52: {  	_ =	swait.ge [sflag:s18], $0x1900  }
0x53: {  	[sflag:s18] =	ssyncset.done $0x0  }
0x54: {  	[sflag:s18] =	ssyncadd.s32 $0xFFFFE700  }
0x55: {  	_ =	swait.ge [sflag:s18], $0x1900  }
0x56: {  	[sflag:s18] =	ssyncset.done $0x0  }
0x57: {  	[sflag:s18] =	ssyncadd.s32 $0xFFFFE700  }
0x58: {  	_ =	swait.ge [sflag:s18], $0x1900  }
0x59: {  	[sflag:s18] =	ssyncset.done $0x0  }
0x5a: {  	[sflag:s18] =	ssyncadd.s32 $0xFFFFE700  }
0x5b: {  	_ =	swait.ge [sflag:s18], $0x1900  }
0x5c: {  	[sflag:s18] =	ssyncset.done $0x0  }
0x5d: {  	[sflag:s18] =	ssyncadd.s32 $0xFFFFE700  }
0x5e: {  	_ =	swait.ge [sflag:s18], $0x1900  }
0x5f: {  	[sflag:s18] =	ssyncset.done $0x0  }
0x60: {  	[sflag:s18] =	ssyncadd.s32 $0xFFFFE700  }
0x61: {  	_ =	swait.ge [sflag:s18], $0x1900  }
0x62: {  	[sflag:s18] =	ssyncset.done $0x0  }
0x63: {  	s29 =	simm.s32 $0x400;
	[sflag:s18] =	ssyncadd.s32 $0xFFFFE700  }
0x64: {  	[tilespmem:s17], [sflag:$0x1] =	stream.indirect.gather [hbm4b:s2+s16], $0x80, s29, s16, $0xb8;
	[tilespmem:$0x12000] =	vst v63  }
0x65: {  	s24 =	simm.s32 $0x480  }
0x66: {  	[tilespmem:s19], [sflag:$0x1] =	stream.indirect.gather [hbm4b:s2+s16], $0x80, s24, s16, $0xb8;
	[tilespmem:$0x12000] =	vst v63  }
0x67: {  	s26 =	simm.s32 $0x500  }
0x68: {  	[tilespmem:s21], [sflag:$0x1] =	stream.indirect.gather [hbm4b:s2+s16], $0x80, s26, s16, $0xb8;
	[tilespmem:$0x12000] =	vst v63  }
0x69: {  	s29 =	simm.s32 $0x580  }
0x6a: {  	[tilespmem:s23], [sflag:$0x1] =	stream.indirect.gather [hbm4b:s2+s16], $0x80, s29, s16, $0xb8;
	[tilespmem:$0x12000] =	vst v63  }
0x6b: {  	s24 =	simm.s32 $0x600  }
0x6c: {  	[tilespmem:s25], [sflag:$0x1] =	stream.indirect.gather [hbm4b:s2+s16], $0x80, s24, s16, $0xb8;
	[tilespmem:$0x12000] =	vst v63  }
0x6d: {  	s22 =	simm.s32 $0x1000;
	s26 =	simm.s32 $0x680  }
0x6e: {  	[tilespmem:s28], [sflag:$0x1] =	stream.indirect.gather [hbm4b:s2+s16], $0x80, s26, s16, $0xb8;
	[tilespmem:$0x12000] =	vst v63  }
0x6f: {  	s29 =	simm.s32 $0x700;
	s24 =	sadd.s32 $0x1C00, s14;
	s26 =	simm.s32 $0x780  }
0x70: {  	[tilespmem:s30], [sflag:$0x1] =	stream.indirect.gather [hbm4b:s2+s16], $0x80, s29, s16, $0xb8;
	[tilespmem:$0x12000] =	vst v63  }
.LBB2_2:
0x71: {  	[tilespmem:s1], [sflag:$0x1] =	stream.indirect.gather [hbm4b:s2+s16], $0x80, s26, s16, $0xb8;
	[tilespmem:$0x12000] =	vst v63  }
0x72: {  	s26 =	smov.u32 s22  }
0x73: {  	p0 =	sne.s32 s22, $0xE000;
	s22 =	sadd.s32 $0x1000, s22;
	_ =	swait.ge [sflag:s0], $0x1900  }
0x74: {  	[sflag:s0] =	ssyncset.done $0x0  }
0x75: {  	[sflag:s0] =	ssyncadd.s32 $0xFFFFE700  }
0x76: {  	_ =	swait.ge [sflag:s0], $0x1900  }
0x77: {  	[sflag:s0] =	ssyncset.done $0x0  }
0x78: {  	[sflag:s0] =	ssyncadd.s32 $0xFFFFE700  }
0x79: {  	_ =	swait.ge [sflag:s0], $0x1900  }
0x7a: {  	[sflag:s0] =	ssyncset.done $0x0  }
0x7b: {  	[sflag:s0] =	ssyncadd.s32 $0xFFFFE700  }
0x7c: {  	_ =	swait.ge [sflag:s0], $0x1900  }
0x7d: {  	[sflag:s0] =	ssyncset.done $0x0  }
0x7e: {  	[sflag:s0] =	ssyncadd.s32 $0xFFFFE700  }
0x7f: {  	_ =	swait.ge [sflag:s0], $0x1900  }
0x80: {  	[sflag:s0] =	ssyncset.done $0x0  }
0x81: {  	[sflag:s0] =	ssyncadd.s32 $0xFFFFE700  }
0x82: {  	_ =	swait.ge [sflag:s0], $0x1900  }
0x83: {  	[sflag:s0] =	ssyncset.done $0x0  }
0x84: {  	[sflag:s0] =	ssyncadd.s32 $0xFFFFE700  }
0x85: {  	_ =	swait.ge [sflag:s0], $0x1900  }
0x86: {  	[sflag:s0] =	ssyncset.done $0x0  }
0x87: {  	[sflag:s0] =	ssyncadd.s32 $0xFFFFE700  }
0x88: {  	_ =	swait.ge [sflag:s0], $0x1900  }
0x89: {  	[sflag:s0] =	ssyncset.done $0x0  }
0x8a: {  	[sflag:s0] =	ssyncadd.s32 $0xFFFFE700  }
0x8b: {  	[hbm4b:s24+s3] =	stream.linear.scatter [tilespmem:s17], [sflag:$0x2], $0x1900, $0x38;
	[tilespmem:$0x12000] =	vst v63  }
0x8c: {  	s29 =	sadd.s32 $0x380, s24  }
0x8d: {  	[hbm4b:s29+s3] =	stream.linear.scatter [tilespmem:s19], [sflag:$0x2], $0x1900, $0x38;
	[tilespmem:$0x12000] =	vst v63  }
0x8e: {  	s29 =	sadd.s32 $0x700, s24  }
0x8f: {  	[hbm4b:s29+s3] =	stream.linear.scatter [tilespmem:s21], [sflag:$0x2], $0x1900, $0x38;
	[tilespmem:$0x12000] =	vst v63  }
0x90: {  	s29 =	sadd.s32 $0xA80, s24  }
0x91: {  	[hbm4b:s29+s3] =	stream.linear.scatter [tilespmem:s23], [sflag:$0x2], $0x1900, $0x38;
	[tilespmem:$0x12000] =	vst v63  }
0x92: {  	s29 =	sadd.s32 $0xE00, s24  }
0x93: {  	[hbm4b:s29+s3] =	stream.linear.scatter [tilespmem:s25], [sflag:$0x2], $0x1900, $0x38;
	[tilespmem:$0x12000] =	vst v63  }
0x94: {  	s29 =	sadd.s32 $0x1180, s24  }
0x95: {  	[hbm4b:s29+s3] =	stream.linear.scatter [tilespmem:s28], [sflag:$0x2], $0x1900, $0x38;
	[tilespmem:$0x12000] =	vst v63  }
0x96: {  	s29 =	sadd.s32 $0x1500, s24  }
0x97: {  	[hbm4b:s29+s3] =	stream.linear.scatter [tilespmem:s30], [sflag:$0x2], $0x1900, $0x38;
	[tilespmem:$0x12000] =	vst v63  }
0x98: {  	s29 =	sadd.s32 $0x1880, s24  }
0x99: {  	[hbm4b:s29+s3] =	stream.linear.scatter [tilespmem:s1], [sflag:$0x2], $0x1900, $0x38;
	[tilespmem:$0x12000] =	vst v63  }
0x9a: {  	_ =	swait.ge [sflag:s18], $0x1900  }
0x9b: {  	[sflag:s18] =	ssyncset.done $0x0  }
0x9c: {  	[sflag:s18] =	ssyncadd.s32 $0xFFFFE700  }
0x9d: {  	_ =	swait.ge [sflag:s18], $0x1900  }
0x9e: {  	[sflag:s18] =	ssyncset.done $0x0  }
0x9f: {  	[sflag:s18] =	ssyncadd.s32 $0xFFFFE700  }
0xa0: {  	_ =	swait.ge [sflag:s18], $0x1900  }
0xa1: {  	[sflag:s18] =	ssyncset.done $0x0  }
0xa2: {  	[sflag:s18] =	ssyncadd.s32 $0xFFFFE700  }
0xa3: {  	_ =	swait.ge [sflag:s18], $0x1900  }
0xa4: {  	[sflag:s18] =	ssyncset.done $0x0  }
0xa5: {  	[sflag:s18] =	ssyncadd.s32 $0xFFFFE700  }
0xa6: {  	_ =	swait.ge [sflag:s18], $0x1900  }
0xa7: {  	[sflag:s18] =	ssyncset.done $0x0  }
0xa8: {  	[sflag:s18] =	ssyncadd.s32 $0xFFFFE700  }
0xa9: {  	_ =	swait.ge [sflag:s18], $0x1900  }
0xaa: {  	[sflag:s18] =	ssyncset.done $0x0  }
0xab: {  	[sflag:s18] =	ssyncadd.s32 $0xFFFFE700  }
0xac: {  	_ =	swait.ge [sflag:s18], $0x1900  }
0xad: {  	[sflag:s18] =	ssyncset.done $0x0  }
0xae: {  	[sflag:s18] =	ssyncadd.s32 $0xFFFFE700  }
0xaf: {  	_ =	swait.ge [sflag:s18], $0x1900  }
0xb0: {  	s26 =	sshra.s32 s26, $0x2;
	[sflag:s18] =	ssyncset.done $0x0  }
0xb1: {  	s29 =	sadd.s32 $0x400, s26;
	[sflag:s18] =	ssyncadd.s32 $0xFFFFE700  }
0xb2: {  	[tilespmem:s17], [sflag:$0x1] =	stream.indirect.gather [hbm4b:s2+s16], $0x80, s29, s16, $0xb8;
	[tilespmem:$0x12000] =	vst v63  }
0xb3: {  	s29 =	sadd.s32 $0x480, s26  }
0xb4: {  	[tilespmem:s19], [sflag:$0x1] =	stream.indirect.gather [hbm4b:s2+s16], $0x80, s29, s16, $0xb8;
	[tilespmem:$0x12000] =	vst v63  }
0xb5: {  	s29 =	sadd.s32 $0x500, s26  }
0xb6: {  	[tilespmem:s21], [sflag:$0x1] =	stream.indirect.gather [hbm4b:s2+s16], $0x80, s29, s16, $0xb8;
	[tilespmem:$0x12000] =	vst v63  }
0xb7: {  	s29 =	sadd.s32 $0x580, s26  }
0xb8: {  	[tilespmem:s23], [sflag:$0x1] =	stream.indirect.gather [hbm4b:s2+s16], $0x80, s29, s16, $0xb8;
	[tilespmem:$0x12000] =	vst v63  }
0xb9: {  	s29 =	sadd.s32 $0x600, s26  }
0xba: {  	[tilespmem:s25], [sflag:$0x1] =	stream.indirect.gather [hbm4b:s2+s16], $0x80, s29, s16, $0xb8;
	[tilespmem:$0x12000] =	vst v63  }
.Ltmp0:
0xbb: {  	s29 =	sadd.s32 $0x680, s26;
	(pc) =	sbr.rel @p0 .LBB2_2-.Ltmp0, $4  }
0xbc: {  	[tilespmem:s28], [sflag:$0x1] =	stream.indirect.gather [hbm4b:s2+s16], $0x80, s29, s16, $0xb8;
	[tilespmem:$0x12000] =	vst v63  }
0xbd: {  	s29 =	sadd.s32 $0x700, s26  }
0xbe: {  	[tilespmem:s30], [sflag:$0x1] =	stream.indirect.gather [hbm4b:s2+s16], $0x80, s29, s16, $0xb8;
	[tilespmem:$0x12000] =	vst v63  }
0xbf: {  	s24 =	sadd.s32 $0x1C00, s24;
	s26 =	sadd.s32 $0x780, s26  }
0xc0: {  	[tilespmem:s1], [sflag:$0x1] =	stream.indirect.gather [hbm4b:s2+s16], $0x80, s26, s16, $0xb8;
	[tilespmem:$0x12000] =	vst v63  }
0xc1: {  	_ =	swait.ge [sflag:s0], $0x1900  }
0xc2: {  	[sflag:s0] =	ssyncset.done $0x0  }
0xc3: {  	[sflag:s0] =	ssyncadd.s32 $0xFFFFE700  }
0xc4: {  	_ =	swait.ge [sflag:s0], $0x1900  }
0xc5: {  	[sflag:s0] =	ssyncset.done $0x0  }
0xc6: {  	[sflag:s0] =	ssyncadd.s32 $0xFFFFE700  }
0xc7: {  	_ =	swait.ge [sflag:s0], $0x1900  }
0xc8: {  	[sflag:s0] =	ssyncset.done $0x0  }
0xc9: {  	[sflag:s0] =	ssyncadd.s32 $0xFFFFE700  }
0xca: {  	_ =	swait.ge [sflag:s0], $0x1900  }
0xcb: {  	[sflag:s0] =	ssyncset.done $0x0  }
0xcc: {  	[sflag:s0] =	ssyncadd.s32 $0xFFFFE700  }
0xcd: {  	_ =	swait.ge [sflag:s0], $0x1900  }
0xce: {  	[sflag:s0] =	ssyncset.done $0x0  }
0xcf: {  	[sflag:s0] =	ssyncadd.s32 $0xFFFFE700  }
0xd0: {  	_ =	swait.ge [sflag:s0], $0x1900  }
0xd1: {  	[sflag:s0] =	ssyncset.done $0x0  }
0xd2: {  	[sflag:s0] =	ssyncadd.s32 $0xFFFFE700  }
0xd3: {  	_ =	swait.ge [sflag:s0], $0x1900  }
0xd4: {  	[sflag:s0] =	ssyncset.done $0x0  }
0xd5: {  	[sflag:s0] =	ssyncadd.s32 $0xFFFFE700  }
0xd6: {  	_ =	swait.ge [sflag:s0], $0x1900  }
0xd7: {  	[sflag:s0] =	ssyncset.done $0x0  }
0xd8: {  	[sflag:s0] =	ssyncadd.s32 $0xFFFFE700  }
0xd9: {  	[hbm4b:s5+s3] =	stream.linear.scatter [tilespmem:s17], [sflag:$0x2], $0x1900, $0x38;
	[tilespmem:$0x12000] =	vst v63  }
0xda: {  	_ = 	snop  }
0xdb: {  	[hbm4b:s6+s3] =	stream.linear.scatter [tilespmem:s19], [sflag:$0x2], $0x1900, $0x38;
	[tilespmem:$0x12000] =	vst v63  }
0xdc: {  	_ = 	snop  }
0xdd: {  	[hbm4b:s7+s3] =	stream.linear.scatter [tilespmem:s21], [sflag:$0x2], $0x1900, $0x38;
	[tilespmem:$0x12000] =	vst v63  }
0xde: {  	_ = 	snop  }
0xdf: {  	[hbm4b:s8+s3] =	stream.linear.scatter [tilespmem:s23], [sflag:$0x2], $0x1900, $0x38;
	[tilespmem:$0x12000] =	vst v63  }
0xe0: {  	_ = 	snop  }
0xe1: {  	[hbm4b:s9+s3] =	stream.linear.scatter [tilespmem:s25], [sflag:$0x2], $0x1900, $0x38;
	[tilespmem:$0x12000] =	vst v63  }
0xe2: {  	_ = 	snop  }
0xe3: {  	[hbm4b:s10+s3] =	stream.linear.scatter [tilespmem:s28], [sflag:$0x2], $0x1900, $0x38;
	[tilespmem:$0x12000] =	vst v63  }
0xe4: {  	_ = 	snop  }
0xe5: {  	[hbm4b:s11+s3] =	stream.linear.scatter [tilespmem:s30], [sflag:$0x2], $0x1900, $0x38;
	[tilespmem:$0x12000] =	vst v63  }
0xe6: {  	_ = 	snop  }
0xe7: {  	[hbm4b:s12+s3] =	stream.linear.scatter [tilespmem:s1], [sflag:$0x2], $0x1900, $0x38;
	[tilespmem:$0x12000] =	vst v63  }
0xe8: {  	_ =	swait.ge [sflag:s18], $0x1900  }
0xe9: {  	[sflag:s18] =	ssyncset.done $0x0  }
0xea: {  	[sflag:s18] =	ssyncadd.s32 $0xFFFFE700  }
0xeb: {  	_ =	swait.ge [sflag:s18], $0x1900  }
0xec: {  	[sflag:s18] =	ssyncset.done $0x0  }
0xed: {  	[sflag:s18] =	ssyncadd.s32 $0xFFFFE700  }
0xee: {  	_ =	swait.ge [sflag:s18], $0x1900  }
0xef: {  	[sflag:s18] =	ssyncset.done $0x0  }
0xf0: {  	[sflag:s18] =	ssyncadd.s32 $0xFFFFE700  }
0xf1: {  	_ =	swait.ge [sflag:s18], $0x1900  }
0xf2: {  	[sflag:s18] =	ssyncset.done $0x0  }
0xf3: {  	[sflag:s18] =	ssyncadd.s32 $0xFFFFE700  }
0xf4: {  	_ =	swait.ge [sflag:s18], $0x1900  }
0xf5: {  	[sflag:s18] =	ssyncset.done $0x0  }
0xf6: {  	[sflag:s18] =	ssyncadd.s32 $0xFFFFE700  }
0xf7: {  	_ =	swait.ge [sflag:s18], $0x1900  }
0xf8: {  	[sflag:s18] =	ssyncset.done $0x0  }
0xf9: {  	s20 =	sadd.s32 $0x1, s20;
	[sflag:s18] =	ssyncadd.s32 $0xFFFFE700  }
0xfa: {  	p0 =	sne.s32 s20, s13;
	_ =	swait.ge [sflag:s18], $0x1900  }
.Ltmp1:
0xfb: {  	[sflag:s18] =	ssyncset.done $0x0;
	(pc) =	sbr.rel @p0 .LBB2_1-.Ltmp1, $4  }
0xfc: {  	[sflag:s18] =	ssyncadd.s32 $0xFFFFE700  }
0xfd: {  	_ =	swait.ge [sflag:s18], $0x1900  }
0xfe: {  	[sflag:s18] =	ssyncset.done $0x0  }
0xff: {  	[sflag:s18] =	ssyncadd.s32 $0xFFFFE700  }
0x100: {  	_ =	sfence.sel $0x180000  }
0x101: {  	[bflag:$0x0] =	sbarrier.arrive $0xFFFF  }
0x102: {  	_ =	strace $0x90000047  }
0x103: {  	s0 =	stileid.u32;
	[bflag:$0x2] =	sbarrier.arrive $0xFFFF  }
0x104: {  	p0 =	sne.s32 s0, $0x0;
	s0 =	rddreg [dreg:$0x3]  }
0x105: {  	s0 =	sadd.s32 @!p0 $0x100000, s0  }
0x106: {  	[sflag:s0] =	ssyncadd.tile.s32 @!p0 $0x1;
	_ =	shalt  }
.Lfunc_end2:
_tile_overlayer_lowered:
.L_overlay_start_2:
0x107: {  	(tag) =	ssettag $0x2  }
0x108: {  	s0 =	rddreg [dreg:$0x0];
	s2 =	stileid.u32  }
0x109: {  	s1 =	rddreg [dreg:$0x1];
	p0 =	sne.s32 s2, $0x0  }
0x10a: {  	s3 =	rddreg [dreg:$0x2];
	[bflag:$0x3] =	sbarrier.arrive $0xFFFF;
	s2 =	simm.s32 @!p0 $0x1C03  }
0x10b: {  	[timem:s3], [sflag:s2] =	dma.local @!p0 [hbm:s0], s1  }
0x10c: {  	s0 =	simm.s32 @!p0 $0x3  }
0x10d: {  	_ =	swait.ge @!p0 [sflag:s0], s1  }
0x10e: {  	s1 =	ssub.s32 @!p0 $0x0, s1;
	[sflag:s0] =	ssyncset.done @!p0 $0x0  }
0x10f: {  	[sflag:s0] =	ssyncadd.s32 @!p0 s1  }
0x110: {  	[bflag:$0x3] =	sbarrier.arrive $0xFFFF  }
0x111: {  	_ =	shalt  }

</sc_bundles>
